<compile_context>
chip_gen: v7x
topology: tpu7x:2x2x1
jax: 0.10.2.dev20260603
libtpu: 0.0.44.dev20260713+nightly
codegen_flags: <defaults>
</compile_context>

<pallas_src>
import functools

import jax
import jax.numpy as jnp
from jax import lax
from jax.experimental import pallas as pl
from jax.experimental.pallas import tpu as pltpu
from jax.experimental.pallas import tpu_sc as plsc

N_NODES = 10000
N_EDGES = 320000
D_IN = 128
D_OUT = 128

NC = 2
NS = 16
DH = D_IN // NC
DW = DH
CHUNK = 128
NPAD = 10112
ROWS_PER_TILE = NPAD // NS
NB = 5
NCHUNK = 160
NR = NCHUNK // NB
EPAD = NS * NCHUNK * CHUNK
HALF = NCHUNK // 2
DEGPAD = 640


def _sc_segment_sum(hext, src3, dst3):
  mesh = plsc.VectorSubcoreMesh(core_axis_name="c", subcore_axis_name="s")

  @functools.partial(
      pl.kernel,
      mesh=mesh,
      compiler_params=pltpu.CompilerParams(use_tc_tiling_on_sc=False),
      out_type=[
          jax.ShapeDtypeStruct((NC, NPAD, DW), jnp.float32),
          jax.ShapeDtypeStruct((NC, NS, ROWS_PER_TILE), jnp.float32),
      ],
      scratch_types=(
          [
              pltpu.VMEM((2, NCHUNK, CHUNK), jnp.int32),
              pltpu.VMEM((NB * CHUNK, DW), jnp.float32),
              pltpu.VMEM((DEGPAD + CHUNK,), jnp.float32),
              pltpu.VMEM_SHARED((NPAD, DW), jnp.float32),
              pltpu.VMEM_SHARED((NPAD,), jnp.float32),
          ]
          + [pltpu.SemaphoreType.DMA] * (2 * NB + 1)
      ),
  )
  def k(h_hbm, src_hbm, dst_hbm, sum_out, deg_out,
        idxbuf, rowsbuf, fbuf, acc_sh, degacc_sh, *sems):
    ones_v = fbuf.at[pl.ds(DEGPAD, CHUNK)]
    degbuf = fbuf.at[pl.ds(0, DEGPAD)]
    rows = [rowsbuf.at[pl.ds(b * CHUNK, CHUNK)] for b in range(NB)]
    gsem = sems[:NB]
    ssem = sems[NB:2 * NB]
    dsem = sems[2 * NB]
    c = lax.axis_index("c")
    s = lax.axis_index("s")
    base = s * ROWS_PER_TILE

    zeros16 = jnp.zeros((16,), jnp.float32)

    pltpu.sync_copy(src_hbm.at[c, s], idxbuf.at[0])
    pltpu.sync_copy(dst_hbm.at[s], idxbuf.at[1])

    def zrow(i, _):
      for kk in range(DW // 16):
        rowsbuf[i, pl.ds(kk * 16, 16)] = zeros16
      return 0
    lax.fori_loop(0, CHUNK, zrow, 0)

    def zfb(i, _):
      fbuf[pl.ds(i * 16, 16)] = zeros16
      return 0
    lax.fori_loop(0, DEGPAD // 16, zfb, 0)

    def zone(i, _):
      fbuf[pl.ds(DEGPAD + i * 16, 16)] = jnp.ones((16,), jnp.float32)
      return 0
    lax.fori_loop(0, CHUNK // 16, zone, 0)

    nfull = ROWS_PER_TILE // CHUNK
    rem = ROWS_PER_TILE - nfull * CHUNK
    for kk in range(nfull):
      pltpu.sync_copy(rowsbuf.at[pl.ds(0, CHUNK)],
                      acc_sh.at[pl.ds(base + kk * CHUNK, CHUNK)])
    pltpu.sync_copy(rowsbuf.at[pl.ds(0, rem)],
                    acc_sh.at[pl.ds(base + nfull * CHUNK, rem)])
    pltpu.sync_copy(degbuf.at[pl.ds(0, ROWS_PER_TILE)],
                    degacc_sh.at[pl.ds(base, ROWS_PER_TILE)])

    plsc.subcore_barrier()

    for b in range(NB):
      pltpu.async_copy(h_hbm.at[idxbuf.at[0, b]], rows[b], gsem[b])

    def rnd(g, _):
      j0 = g * NB
      for b in range(NB):
        pltpu.make_async_copy(h_hbm.at[pl.ds(0, CHUNK)], rows[b],
                              gsem[b]).wait()
        pltpu.async_copy(rows[b], acc_sh.at[idxbuf.at[1, j0 + b]], ssem[b],
                         add=True)
        pltpu.async_copy(ones_v, degacc_sh.at[idxbuf.at[1, j0 + b]], dsem,
                         add=True)
      for b in range(NB):
        pltpu.make_async_copy(rows[b], acc_sh.at[pl.ds(0, CHUNK)],
                              ssem[b]).wait()
        @pl.when(g < NR - 1)
        def _():
          pltpu.async_copy(h_hbm.at[idxbuf.at[0, j0 + NB + b]], rows[b],
                           gsem[b])
      for b in range(NB):
        pltpu.make_async_copy(ones_v, degacc_sh.at[pl.ds(0, CHUNK)],
                              dsem).wait()
      return 0
    lax.fori_loop(0, NR, rnd, 0)

    plsc.subcore_barrier()

    for kk in range(nfull):
      pltpu.sync_copy(acc_sh.at[pl.ds(base + kk * CHUNK, CHUNK)],
                      rowsbuf.at[pl.ds(0, CHUNK)])
      pltpu.sync_copy(rowsbuf.at[pl.ds(0, CHUNK)],
                      sum_out.at[c, pl.ds(base + kk * CHUNK, CHUNK)])
    pltpu.sync_copy(acc_sh.at[pl.ds(base + nfull * CHUNK, rem)],
                    rowsbuf.at[pl.ds(0, rem)])
    pltpu.sync_copy(rowsbuf.at[pl.ds(0, rem)],
                    sum_out.at[c, pl.ds(base + nfull * CHUNK, rem)])
    pltpu.sync_copy(degacc_sh.at[pl.ds(base, ROWS_PER_TILE)],
                    degbuf.at[pl.ds(0, ROWS_PER_TILE)])
    pltpu.sync_copy(degbuf.at[pl.ds(0, ROWS_PER_TILE)], deg_out.at[c, s])

  return k(hext, src3, dst3)


def _tc_combine(h, sums, degs, wt, b2):
  R = 2000
  grid = (N_NODES // R,)

  def body(h_ref, p_ref, d_ref, wt_ref, b_ref, o_ref):
    deg = (d_ref[0] + d_ref[1]) * 0.5
    inv = 1.0 / jnp.maximum(deg, 1.0)
    hn = jnp.concatenate([p_ref[0, :, :DH], p_ref[1, :, :DH]], axis=1) * inv
    acc = jnp.dot(h_ref[...], wt_ref[0:D_IN, :],
                  preferred_element_type=jnp.float32)
    acc += jnp.dot(hn, wt_ref[D_IN:2 * D_IN, :],
                   preferred_element_type=jnp.float32)
    o_ref[...] = acc + b_ref[...]

  return pl.pallas_call(
      body,
      grid=grid,
      in_specs=[
          pl.BlockSpec((R, D_IN), lambda i: (i, 0)),
          pl.BlockSpec((NC, R, DW), lambda i: (0, i, 0)),
          pl.BlockSpec((NC, R, 1), lambda i: (0, i, 0)),
          pl.BlockSpec((2 * D_IN, D_OUT), lambda i: (0, 0)),
          pl.BlockSpec((1, D_OUT), lambda i: (0, 0)),
      ],
      out_specs=pl.BlockSpec((R, D_OUT), lambda i: (i, 0)),
      out_shape=jax.ShapeDtypeStruct((N_NODES, D_OUT), jnp.float32),
  )(h, sums, degs, wt, b2)


def kernel(h, edge_index, W, b):
  src = edge_index[0].astype(jnp.int32)
  dst = edge_index[1].astype(jnp.int32)
  npad_e = EPAD - N_EDGES
  src = jnp.concatenate([src, jnp.zeros((npad_e,), jnp.int32)])
  dst = jnp.concatenate([dst, jnp.full((npad_e,), N_NODES, jnp.int32)])
  src3 = jnp.stack([src, src + N_NODES]).reshape(NC, NS, NCHUNK, CHUNK)
  dst3 = dst.reshape(NS, NCHUNK, CHUNK)
  hext = jnp.concatenate([h[:, :DH], h[:, DH:]], axis=0)

  sums, degs = _sc_segment_sum(hext, src3, dst3)
  degs = degs.reshape(NC, NPAD, 1)

  wt = W.T
  b2 = b.reshape(1, D_OUT)
  return _tc_combine(h, sums, degs, wt, b2)

# --- scband reference (transcript-rebuilt; emitter-appended) ---
"""Pipeline reference for scband-sage-conv-69398081569112 (READ-ONLY COPY).

The authoritative reference and input builder live on the scoring server;
editing this copy changes nothing except your own understanding.
"""

import jax, jax.numpy as jnp
import numpy as np

N_NODES = 10000
N_EDGES = 320000
D_IN = 128
D_OUT = 128

def setup_inputs(seed: int = 0) -> dict:
    key = jax.random.key(seed)
    k1, k2, k3, k4 = jax.random.split(key, 4)
    h = jax.random.normal(k1, (N_NODES, D_IN), dtype=jnp.float32)
    edge_index = jax.random.randint(k2, (2, N_EDGES), 0, N_NODES, dtype=jnp.int64)
    # nn.Linear(in_feat*2, out_feat): weight [out, 2*in], bias [out]
    W = jax.random.normal(k3, (D_OUT, 2 * D_IN), dtype=jnp.float32) * 0.05
    b = jax.random.normal(k4, (D_OUT,), dtype=jnp.float32) * 0.05
    return {"h": h, "edge_index": edge_index, "W": W, "b": b}

def reference(h, edge_index, W, b):
    src = edge_index[0]
    dst = edge_index[1]
    # message: copy_u('h','m') -> gather source node features per edge
    msgs = jnp.take(h, src, axis=0)
    # reduce: mean over incoming edges per destination node
    summed = jax.ops.segment_sum(msgs, dst, num_segments=N_NODES)
    deg = jax.ops.segment_sum(jnp.ones((N_EDGES,), dtype=h.dtype), dst, num_segments=N_NODES)
    h_N = summed / jnp.maximum(deg, 1.0)[:, None]
    h_total = jnp.concatenate([h, h_N], axis=1)
    return h_total @ W.T + b

if __name__ == "__main__":
    import jax
    _d = setup_inputs()
    print(jax.jit(kernel)(*tuple(_d.values())))

</pallas_src>

<mosaic_0001>
#map = affine_map<(d0, d1) -> (0, 0)>
#map1 = affine_map<(d0, d1) -> (0, 0, 0, 0)>
#map2 = affine_map<(d0, d1) -> (0, 0, 0)>
module attributes {stable_mosaic.version = 14 : i64} {
  func.func @k(%arg0: i32, %arg1: i32, %arg2: memref<20000x64xf32, #tpu.memory_space<hbm>>, %arg3: memref<2x16x160x128xi32, #tpu.memory_space<hbm>>, %arg4: memref<16x160x128xi32, #tpu.memory_space<hbm>>, %arg5: memref<2x10112x64xf32, #tpu.memory_space<hbm>>, %arg6: memref<2x16x632xf32, #tpu.memory_space<hbm>>, %arg7: memref<2x160x128xi32, #tpu.memory_space<vmem>>, %arg8: memref<640x64xf32, #tpu.memory_space<vmem>>, %arg9: memref<768xf32, #tpu.memory_space<vmem>>, %arg10: memref<10112x64xf32, #tpu.memory_space<vmem_shared>>, %arg11: memref<10112xf32, #tpu.memory_space<vmem_shared>>, %arg12: memref<!tpu.dma_semaphore, #tpu.memory_space<semaphore_mem>>, %arg13: memref<!tpu.dma_semaphore, #tpu.memory_space<semaphore_mem>>, %arg14: memref<!tpu.dma_semaphore, #tpu.memory_space<semaphore_mem>>, %arg15: memref<!tpu.dma_semaphore, #tpu.memory_space<semaphore_mem>>, %arg16: memref<!tpu.dma_semaphore, #tpu.memory_space<semaphore_mem>>, %arg17: memref<!tpu.dma_semaphore, #tpu.memory_space<semaphore_mem>>, %arg18: memref<!tpu.dma_semaphore, #tpu.memory_space<semaphore_mem>>, %arg19: memref<!tpu.dma_semaphore, #tpu.memory_space<semaphore_mem>>, %arg20: memref<!tpu.dma_semaphore, #tpu.memory_space<semaphore_mem>>, %arg21: memref<!tpu.dma_semaphore, #tpu.memory_space<semaphore_mem>>, %arg22: memref<!tpu.dma_semaphore, #tpu.memory_space<semaphore_mem>>) attributes {dimension_semantics = [#tpu.dimension_semantics<core_parallel>, #tpu.dimension_semantics<subcore_parallel>], iteration_bounds = array<i64: 2, 16>, scalar_prefetch = 0 : i64, scratch_operands = 16 : i64, tpu.core_type = #tpu.core_type<sc_vector_subcore>, window_params = [{transform_indices = #map}, {transform_indices = #map1}, {transform_indices = #map2}, {transform_indices = #map2}, {transform_indices = #map2}]} {
    %mul3A = arith.constant 632 : i32
    %mul3A_0 = arith.muli %arg1, %mul3A : i32
    %broadcast_in_dim3A = arith.constant 0.000000e+00 : f32
    %broadcast_in_dim3A_1 = vector.broadcast %broadcast_in_dim3A : f32 to vector<16xf32>
    %run_scoped3A = arith.constant 0 : i32
    "tpu.region"() ({
      %run_scoped3A_114 = tpu.sem_alloc : memref<!tpu.dma_semaphore, #tpu.memory_space<semaphore_mem>>
      %dma_start3A_115 = arith.constant 0 : i32
      %dma_start3A_116 = arith.constant 0 : i32
      %dma_start3A_117 = tpu.memref_slice %arg7[%run_scoped3A, %dma_start3A_115, %dma_start3A_116] : memref<2x160x128xi32, #tpu.memory_space<vmem>> -> memref<1x160x128xi32, #tpu.memory_space<vmem>>
      %dma_start3A_118 = tpu.memref_squeeze %dma_start3A_117 : memref<1x160x128xi32, #tpu.memory_space<vmem>> -> memref<160x128xi32, #tpu.memory_space<vmem>>
      %dma_start3A_119 = arith.constant 0 : i32
      %dma_start3A_120 = arith.constant 0 : i32
      %dma_start3A_121 = tpu.memref_slice %arg3[%arg0, %arg1, %dma_start3A_119, %dma_start3A_120] : memref<2x16x160x128xi32, #tpu.memory_space<hbm>> -> memref<1x1x160x128xi32, #tpu.memory_space<hbm>>
      %dma_start3A_122 = tpu.memref_squeeze %dma_start3A_121 : memref<1x1x160x128xi32, #tpu.memory_space<hbm>> -> memref<160x128xi32, #tpu.memory_space<hbm>>
      %dma_start3A_123 = arith.constant 0 : i32
      %dma_start3A_124 = arith.constant 0 : i32
      %dma_start3A_125 = tpu.memref_slice %arg7[%run_scoped3A, %dma_start3A_123, %dma_start3A_124] : memref<2x160x128xi32, #tpu.memory_space<vmem>> -> memref<1x160x128xi32, #tpu.memory_space<vmem>>
      %dma_start3A_126 = tpu.memref_squeeze %dma_start3A_125 : memref<1x160x128xi32, #tpu.memory_space<vmem>> -> memref<160x128xi32, #tpu.memory_space<vmem>>
      %dma_start3A_127 = arith.constant 0 : i32
      %dma_start3A_128 = arith.constant 0 : i32
      %dma_start3A_129 = tpu.memref_slice %arg3[%arg0, %arg1, %dma_start3A_127, %dma_start3A_128] : memref<2x16x160x128xi32, #tpu.memory_space<hbm>> -> memref<1x1x160x128xi32, #tpu.memory_space<hbm>>
      %dma_start3A_130 = tpu.memref_squeeze %dma_start3A_129 : memref<1x1x160x128xi32, #tpu.memory_space<hbm>> -> memref<160x128xi32, #tpu.memory_space<hbm>>
      tpu.enqueue_dma source(%dma_start3A_130 : memref<160x128xi32, #tpu.memory_space<hbm>>) target(%dma_start3A_126 : memref<160x128xi32, #tpu.memory_space<vmem>>) target_semaphore(%run_scoped3A_114 : memref<!tpu.dma_semaphore, #tpu.memory_space<semaphore_mem>>)
      %dma_wait3A = arith.constant 0 : i32
      %dma_wait3A_131 = arith.constant 0 : i32
      %dma_wait3A_132 = tpu.memref_slice %arg7[%run_scoped3A, %dma_wait3A, %dma_wait3A_131] : memref<2x160x128xi32, #tpu.memory_space<vmem>> -> memref<1x160x128xi32, #tpu.memory_space<vmem>>
      %dma_wait3A_133 = tpu.memref_squeeze %dma_wait3A_132 : memref<1x160x128xi32, #tpu.memory_space<vmem>> -> memref<160x128xi32, #tpu.memory_space<vmem>>
      %dma_wait3A_134 = arith.constant 0 : i32
      %dma_wait3A_135 = arith.constant 0 : i32
      %dma_wait3A_136 = tpu.memref_slice %arg3[%arg0, %arg1, %dma_wait3A_134, %dma_wait3A_135] : memref<2x16x160x128xi32, #tpu.memory_space<hbm>> -> memref<1x1x160x128xi32, #tpu.memory_space<hbm>>
      %dma_wait3A_137 = tpu.memref_squeeze %dma_wait3A_136 : memref<1x1x160x128xi32, #tpu.memory_space<hbm>> -> memref<160x128xi32, #tpu.memory_space<hbm>>
      %dma_wait3A_138 = arith.constant 0 : i32
      %dma_wait3A_139 = arith.constant 0 : i32
      %dma_wait3A_140 = tpu.memref_slice %arg7[%run_scoped3A, %dma_wait3A_138, %dma_wait3A_139] : memref<2x160x128xi32, #tpu.memory_space<vmem>> -> memref<1x160x128xi32, #tpu.memory_space<vmem>>
      %dma_wait3A_141 = tpu.memref_squeeze %dma_wait3A_140 : memref<1x160x128xi32, #tpu.memory_space<vmem>> -> memref<160x128xi32, #tpu.memory_space<vmem>>
      %dma_wait3A_142 = arith.constant 0 : i32
      %dma_wait3A_143 = arith.constant 0 : i32
      %dma_wait3A_144 = tpu.memref_slice %arg3[%arg0, %arg1, %dma_wait3A_142, %dma_wait3A_143] : memref<2x16x160x128xi32, #tpu.memory_space<hbm>> -> memref<1x1x160x128xi32, #tpu.memory_space<hbm>>
      %dma_wait3A_145 = tpu.memref_squeeze %dma_wait3A_144 : memref<1x1x160x128xi32, #tpu.memory_space<hbm>> -> memref<160x128xi32, #tpu.memory_space<hbm>>
      tpu.wait_dma2 semaphore(%run_scoped3A_114 : memref<!tpu.dma_semaphore, #tpu.memory_space<semaphore_mem>>) src(%dma_wait3A_145 : memref<160x128xi32, #tpu.memory_space<hbm>>) dst(%dma_wait3A_141 : memref<160x128xi32, #tpu.memory_space<vmem>>)
      tpu.yield
    }) : () -> ()
    %run_scoped3A_2 = arith.constant 1 : i32
    "tpu.region"() ({
      %run_scoped3A_114 = tpu.sem_alloc : memref<!tpu.dma_semaphore, #tpu.memory_space<semaphore_mem>>
      %dma_start3A_115 = arith.constant 0 : i32
      %dma_start3A_116 = arith.constant 0 : i32
      %dma_start3A_117 = tpu.memref_slice %arg7[%run_scoped3A_2, %dma_start3A_115, %dma_start3A_116] : memref<2x160x128xi32, #tpu.memory_space<vmem>> -> memref<1x160x128xi32, #tpu.memory_space<vmem>>
      %dma_start3A_118 = tpu.memref_squeeze %dma_start3A_117 : memref<1x160x128xi32, #tpu.memory_space<vmem>> -> memref<160x128xi32, #tpu.memory_space<vmem>>
      %dma_start3A_119 = arith.constant 0 : i32
      %dma_start3A_120 = arith.constant 0 : i32
      %dma_start3A_121 = tpu.memref_slice %arg4[%arg1, %dma_start3A_119, %dma_start3A_120] : memref<16x160x128xi32, #tpu.memory_space<hbm>> -> memref<1x160x128xi32, #tpu.memory_space<hbm>>
      %dma_start3A_122 = tpu.memref_squeeze %dma_start3A_121 : memref<1x160x128xi32, #tpu.memory_space<hbm>> -> memref<160x128xi32, #tpu.memory_space<hbm>>
      %dma_start3A_123 = arith.constant 0 : i32
      %dma_start3A_124 = arith.constant 0 : i32
      %dma_start3A_125 = tpu.memref_slice %arg7[%run_scoped3A_2, %dma_start3A_123, %dma_start3A_124] : memref<2x160x128xi32, #tpu.memory_space<vmem>> -> memref<1x160x128xi32, #tpu.memory_space<vmem>>
      %dma_start3A_126 = tpu.memref_squeeze %dma_start3A_125 : memref<1x160x128xi32, #tpu.memory_space<vmem>> -> memref<160x128xi32, #tpu.memory_space<vmem>>
      %dma_start3A_127 = arith.constant 0 : i32
      %dma_start3A_128 = arith.constant 0 : i32
      %dma_start3A_129 = tpu.memref_slice %arg4[%arg1, %dma_start3A_127, %dma_start3A_128] : memref<16x160x128xi32, #tpu.memory_space<hbm>> -> memref<1x160x128xi32, #tpu.memory_space<hbm>>
      %dma_start3A_130 = tpu.memref_squeeze %dma_start3A_129 : memref<1x160x128xi32, #tpu.memory_space<hbm>> -> memref<160x128xi32, #tpu.memory_space<hbm>>
      tpu.enqueue_dma source(%dma_start3A_130 : memref<160x128xi32, #tpu.memory_space<hbm>>) target(%dma_start3A_126 : memref<160x128xi32, #tpu.memory_space<vmem>>) target_semaphore(%run_scoped3A_114 : memref<!tpu.dma_semaphore, #tpu.memory_space<semaphore_mem>>)
      %dma_wait3A = arith.constant 0 : i32
      %dma_wait3A_131 = arith.constant 0 : i32
      %dma_wait3A_132 = tpu.memref_slice %arg7[%run_scoped3A_2, %dma_wait3A, %dma_wait3A_131] : memref<2x160x128xi32, #tpu.memory_space<vmem>> -> memref<1x160x128xi32, #tpu.memory_space<vmem>>
      %dma_wait3A_133 = tpu.memref_squeeze %dma_wait3A_132 : memref<1x160x128xi32, #tpu.memory_space<vmem>> -> memref<160x128xi32, #tpu.memory_space<vmem>>
      %dma_wait3A_134 = arith.constant 0 : i32
      %dma_wait3A_135 = arith.constant 0 : i32
      %dma_wait3A_136 = tpu.memref_slice %arg4[%arg1, %dma_wait3A_134, %dma_wait3A_135] : memref<16x160x128xi32, #tpu.memory_space<hbm>> -> memref<1x160x128xi32, #tpu.memory_space<hbm>>
      %dma_wait3A_137 = tpu.memref_squeeze %dma_wait3A_136 : memref<1x160x128xi32, #tpu.memory_space<hbm>> -> memref<160x128xi32, #tpu.memory_space<hbm>>
      %dma_wait3A_138 = arith.constant 0 : i32
      %dma_wait3A_139 = arith.constant 0 : i32
      %dma_wait3A_140 = tpu.memref_slice %arg7[%run_scoped3A_2, %dma_wait3A_138, %dma_wait3A_139] : memref<2x160x128xi32, #tpu.memory_space<vmem>> -> memref<1x160x128xi32, #tpu.memory_space<vmem>>
      %dma_wait3A_141 = tpu.memref_squeeze %dma_wait3A_140 : memref<1x160x128xi32, #tpu.memory_space<vmem>> -> memref<160x128xi32, #tpu.memory_space<vmem>>
      %dma_wait3A_142 = arith.constant 0 : i32
      %dma_wait3A_143 = arith.constant 0 : i32
      %dma_wait3A_144 = tpu.memref_slice %arg4[%arg1, %dma_wait3A_142, %dma_wait3A_143] : memref<16x160x128xi32, #tpu.memory_space<hbm>> -> memref<1x160x128xi32, #tpu.memory_space<hbm>>
      %dma_wait3A_145 = tpu.memref_squeeze %dma_wait3A_144 : memref<1x160x128xi32, #tpu.memory_space<hbm>> -> memref<160x128xi32, #tpu.memory_space<hbm>>
      tpu.wait_dma2 semaphore(%run_scoped3A_114 : memref<!tpu.dma_semaphore, #tpu.memory_space<semaphore_mem>>) src(%dma_wait3A_145 : memref<160x128xi32, #tpu.memory_space<hbm>>) dst(%dma_wait3A_141 : memref<160x128xi32, #tpu.memory_space<vmem>>)
      tpu.yield
    }) : () -> ()
    %scan3A = arith.constant 0 : i32
    %scan3A_3 = arith.constant 0 : i32
    %scan3A_4 = arith.constant 128 : i32
    %scan3A_5 = arith.addi %scan3A_3, %scan3A_4 : i32
    %scan3A_6 = arith.constant 1 : i32
    %scan3A_7 = scf.for %scan3A_114 = %scan3A_3 to %scan3A_5 step %scan3A_6 iter_args(%scan3A_115 = %scan3A) -> (i32)  : i32 {
      %swap3A = arith.index_cast %scan3A_114 : i32 to index
      %swap3A_116 = arith.constant 0 : index
      %swap3A_117 = tpu.vector_load %arg8[%swap3A, %swap3A_116] {strides = array<i32>} : memref<640x64xf32, #tpu.memory_space<vmem>>, vector<1x16xf32>,
      %swap3A_118 = vector.shape_cast %swap3A_117 : vector<1x16xf32> to vector<16xf32>
      %swap3A_119 = vector.shape_cast %broadcast_in_dim3A_1 : vector<16xf32> to vector<1x16xf32>
      tpu.vector_store %arg8[%swap3A, %swap3A_116], %swap3A_119 {strides = array<i32>} : memref<640x64xf32, #tpu.memory_space<vmem>>, vector<1x16xf32>,
      %swap3A_120 = arith.index_cast %scan3A_114 : i32 to index
      %swap3A_121 = arith.constant 16 : index
      %swap3A_122 = tpu.vector_load %arg8[%swap3A_120, %swap3A_121] {strides = array<i32>} : memref<640x64xf32, #tpu.memory_space<vmem>>, vector<1x16xf32>,
      %swap3A_123 = vector.shape_cast %swap3A_122 : vector<1x16xf32> to vector<16xf32>
      %swap3A_124 = vector.shape_cast %broadcast_in_dim3A_1 : vector<16xf32> to vector<1x16xf32>
      tpu.vector_store %arg8[%swap3A_120, %swap3A_121], %swap3A_124 {strides = array<i32>} : memref<640x64xf32, #tpu.memory_space<vmem>>, vector<1x16xf32>,
      %swap3A_125 = arith.index_cast %scan3A_114 : i32 to index
      %swap3A_126 = arith.constant 32 : index
      %swap3A_127 = tpu.vector_load %arg8[%swap3A_125, %swap3A_126] {strides = array<i32>} : memref<640x64xf32, #tpu.memory_space<vmem>>, vector<1x16xf32>,
      %swap3A_128 = vector.shape_cast %swap3A_127 : vector<1x16xf32> to vector<16xf32>
      %swap3A_129 = vector.shape_cast %broadcast_in_dim3A_1 : vector<16xf32> to vector<1x16xf32>
      tpu.vector_store %arg8[%swap3A_125, %swap3A_126], %swap3A_129 {strides = array<i32>} : memref<640x64xf32, #tpu.memory_space<vmem>>, vector<1x16xf32>,
      %swap3A_130 = arith.index_cast %scan3A_114 : i32 to index
      %swap3A_131 = arith.constant 48 : index
      %swap3A_132 = tpu.vector_load %arg8[%swap3A_130, %swap3A_131] {strides = array<i32>} : memref<640x64xf32, #tpu.memory_space<vmem>>, vector<1x16xf32>,
      %swap3A_133 = vector.shape_cast %swap3A_132 : vector<1x16xf32> to vector<16xf32>
      %swap3A_134 = vector.shape_cast %broadcast_in_dim3A_1 : vector<16xf32> to vector<1x16xf32>
      tpu.vector_store %arg8[%swap3A_130, %swap3A_131], %swap3A_134 {strides = array<i32>} : memref<640x64xf32, #tpu.memory_space<vmem>>, vector<1x16xf32>,
      %scan3A_135 = arith.constant 0 : i32
      scf.yield %scan3A_135 : i32
    }
    %scan3A_8 = arith.constant 128 : i32
    %scan3A_9 = arith.constant 0 : i32
    %scan3A_10 = arith.constant 0 : i32
    %scan3A_11 = arith.constant 40 : i32
    %scan3A_12 = arith.addi %scan3A_10, %scan3A_11 : i32
    %scan3A_13 = arith.constant 1 : i32
    %scan3A_14 = scf.for %scan3A_114 = %scan3A_10 to %scan3A_12 step %scan3A_13 iter_args(%scan3A_115 = %scan3A_9) -> (i32)  : i32 {
      %mul3A_116 = arith.constant 16 : i32
      %mul3A_117 = arith.muli %scan3A_114, %mul3A_116 : i32
      %swap3A = arith.index_cast %mul3A_117 : i32 to index
      %swap3A_118 = tpu.vector_load %arg9[%swap3A] {strides = array<i32>} : memref<768xf32, #tpu.memory_space<vmem>>, vector<16xf32>,
      %swap3A_119 = vector.shape_cast %swap3A_118 : vector<16xf32> to vector<16xf32>
      %swap3A_120 = vector.shape_cast %broadcast_in_dim3A_1 : vector<16xf32> to vector<16xf32>
      tpu.vector_store %arg9[%swap3A], %swap3A_120 {strides = array<i32>} : memref<768xf32, #tpu.memory_space<vmem>>, vector<16xf32>,
      %scan3A_121 = arith.constant 0 : i32
      scf.yield %scan3A_121 : i32
    }
    %scan3A_15 = arith.constant 40 : i32
    %scan3A_16 = arith.constant 0 : i32
    %scan3A_17 = arith.constant 0 : i32
    %scan3A_18 = arith.constant 8 : i32
    %scan3A_19 = arith.addi %scan3A_17, %scan3A_18 : i32
    %scan3A_20 = arith.constant 1 : i32
    %scan3A_21 = scf.for %scan3A_114 = %scan3A_17 to %scan3A_19 step %scan3A_20 iter_args(%scan3A_115 = %scan3A_16) -> (i32)  : i32 {
      %broadcast_in_dim3A_116 = arith.constant 1.000000e+00 : f32
      %broadcast_in_dim3A_117 = vector.broadcast %broadcast_in_dim3A_116 : f32 to vector<16xf32>
      %mul3A_118 = arith.constant 16 : i32
      %mul3A_119 = arith.muli %scan3A_114, %mul3A_118 : i32
      %add3A_120 = arith.constant 640 : i32
      %add3A_121 = arith.addi %add3A_120, %mul3A_119 : i32
      %swap3A = arith.index_cast %add3A_121 : i32 to index
      %swap3A_122 = tpu.vector_load %arg9[%swap3A] {strides = array<i32>} : memref<768xf32, #tpu.memory_space<vmem>>, vector<16xf32>,
      %swap3A_123 = vector.shape_cast %swap3A_122 : vector<16xf32> to vector<16xf32>
      %swap3A_124 = vector.shape_cast %broadcast_in_dim3A_117 : vector<16xf32> to vector<16xf32>
      tpu.vector_store %arg9[%swap3A], %swap3A_124 {strides = array<i32>} : memref<768xf32, #tpu.memory_space<vmem>>, vector<16xf32>,
      %scan3A_125 = arith.constant 0 : i32
      scf.yield %scan3A_125 : i32
    }
    %scan3A_22 = arith.constant 8 : i32
    %add3A = arith.constant 0 : i32
    %add3A_23 = arith.addi %mul3A_0, %add3A : i32
    "tpu.region"() ({
      %run_scoped3A_114 = tpu.sem_alloc : memref<!tpu.dma_semaphore, #tpu.memory_space<semaphore_mem>>
      %dma_start3A_115 = arith.constant 0 : i32
      %dma_start3A_116 = arith.constant 0 : i32
      %dma_start3A_117 = tpu.memref_slice %arg8[%dma_start3A_115, %dma_start3A_116] : memref<640x64xf32, #tpu.memory_space<vmem>> -> memref<128x64xf32, #tpu.memory_space<vmem>>
      %dma_start3A_118 = arith.constant 0 : i32
      %dma_start3A_119 = tpu.memref_slice %arg10[%add3A_23, %dma_start3A_118] : memref<10112x64xf32, #tpu.memory_space<vmem_shared>> -> memref<128x64xf32, #tpu.memory_space<vmem_shared>>
      %dma_start3A_120 = arith.constant 0 : i32
      %dma_start3A_121 = tpu.memref_slice %arg10[%add3A_23, %dma_start3A_120] : memref<10112x64xf32, #tpu.memory_space<vmem_shared>> -> memref<128x64xf32, #tpu.memory_space<vmem_shared>>
      %dma_start3A_122 = arith.constant 0 : i32
      %dma_start3A_123 = arith.constant 0 : i32
      %dma_start3A_124 = tpu.memref_slice %arg8[%dma_start3A_122, %dma_start3A_123] : memref<640x64xf32, #tpu.memory_space<vmem>> -> memref<128x64xf32, #tpu.memory_space<vmem>>
      tpu.enqueue_dma source(%dma_start3A_124 : memref<128x64xf32, #tpu.memory_space<vmem>>) target(%dma_start3A_121 : memref<128x64xf32, #tpu.memory_space<vmem_shared>>) target_semaphore(%run_scoped3A_114 : memref<!tpu.dma_semaphore, #tpu.memory_space<semaphore_mem>>)
      %dma_wait3A = arith.constant 0 : i32
      %dma_wait3A_125 = arith.constant 0 : i32
      %dma_wait3A_126 = tpu.memref_slice %arg8[%dma_wait3A, %dma_wait3A_125] : memref<640x64xf32, #tpu.memory_space<vmem>> -> memref<128x64xf32, #tpu.memory_space<vmem>>
      %dma_wait3A_127 = arith.constant 0 : i32
      %dma_wait3A_128 = tpu.memref_slice %arg10[%add3A_23, %dma_wait3A_127] : memref<10112x64xf32, #tpu.memory_space<vmem_shared>> -> memref<128x64xf32, #tpu.memory_space<vmem_shared>>
      %dma_wait3A_129 = arith.constant 0 : i32
      %dma_wait3A_130 = tpu.memref_slice %arg10[%add3A_23, %dma_wait3A_129] : memref<10112x64xf32, #tpu.memory_space<vmem_shared>> -> memref<128x64xf32, #tpu.memory_space<vmem_shared>>
      %dma_wait3A_131 = arith.constant 0 : i32
      %dma_wait3A_132 = arith.constant 0 : i32
      %dma_wait3A_133 = tpu.memref_slice %arg8[%dma_wait3A_131, %dma_wait3A_132] : memref<640x64xf32, #tpu.memory_space<vmem>> -> memref<128x64xf32, #tpu.memory_space<vmem>>
      tpu.wait_dma2 semaphore(%run_scoped3A_114 : memref<!tpu.dma_semaphore, #tpu.memory_space<semaphore_mem>>) src(%dma_wait3A_133 : memref<128x64xf32, #tpu.memory_space<vmem>>) dst(%dma_wait3A_130 : memref<128x64xf32, #tpu.memory_space<vmem_shared>>)
      tpu.yield
    }) : () -> ()
    %add3A_24 = arith.constant 128 : i32
    %add3A_25 = arith.addi %mul3A_0, %add3A_24 : i32
    "tpu.region"() ({
      %run_scoped3A_114 = tpu.sem_alloc : memref<!tpu.dma_semaphore, #tpu.memory_space<semaphore_mem>>
      %dma_start3A_115 = arith.constant 0 : i32
      %dma_start3A_116 = arith.constant 0 : i32
      %dma_start3A_117 = tpu.memref_slice %arg8[%dma_start3A_115, %dma_start3A_116] : memref<640x64xf32, #tpu.memory_space<vmem>> -> memref<128x64xf32, #tpu.memory_space<vmem>>
      %dma_start3A_118 = arith.constant 0 : i32
      %dma_start3A_119 = tpu.memref_slice %arg10[%add3A_25, %dma_start3A_118] : memref<10112x64xf32, #tpu.memory_space<vmem_shared>> -> memref<128x64xf32, #tpu.memory_space<vmem_shared>>
      %dma_start3A_120 = arith.constant 0 : i32
      %dma_start3A_121 = tpu.memref_slice %arg10[%add3A_25, %dma_start3A_120] : memref<10112x64xf32, #tpu.memory_space<vmem_shared>> -> memref<128x64xf32, #tpu.memory_space<vmem_shared>>
      %dma_start3A_122 = arith.constant 0 : i32
      %dma_start3A_123 = arith.constant 0 : i32
      %dma_start3A_124 = tpu.memref_slice %arg8[%dma_start3A_122, %dma_start3A_123] : memref<640x64xf32, #tpu.memory_space<vmem>> -> memref<128x64xf32, #tpu.memory_space<vmem>>
      tpu.enqueue_dma source(%dma_start3A_124 : memref<128x64xf32, #tpu.memory_space<vmem>>) target(%dma_start3A_121 : memref<128x64xf32, #tpu.memory_space<vmem_shared>>) target_semaphore(%run_scoped3A_114 : memref<!tpu.dma_semaphore, #tpu.memory_space<semaphore_mem>>)
      %dma_wait3A = arith.constant 0 : i32
      %dma_wait3A_125 = arith.constant 0 : i32
      %dma_wait3A_126 = tpu.memref_slice %arg8[%dma_wait3A, %dma_wait3A_125] : memref<640x64xf32, #tpu.memory_space<vmem>> -> memref<128x64xf32, #tpu.memory_space<vmem>>
      %dma_wait3A_127 = arith.constant 0 : i32
      %dma_wait3A_128 = tpu.memref_slice %arg10[%add3A_25, %dma_wait3A_127] : memref<10112x64xf32, #tpu.memory_space<vmem_shared>> -> memref<128x64xf32, #tpu.memory_space<vmem_shared>>
      %dma_wait3A_129 = arith.constant 0 : i32
      %dma_wait3A_130 = tpu.memref_slice %arg10[%add3A_25, %dma_wait3A_129] : memref<10112x64xf32, #tpu.memory_space<vmem_shared>> -> memref<128x64xf32, #tpu.memory_space<vmem_shared>>
      %dma_wait3A_131 = arith.constant 0 : i32
      %dma_wait3A_132 = arith.constant 0 : i32
      %dma_wait3A_133 = tpu.memref_slice %arg8[%dma_wait3A_131, %dma_wait3A_132] : memref<640x64xf32, #tpu.memory_space<vmem>> -> memref<128x64xf32, #tpu.memory_space<vmem>>
      tpu.wait_dma2 semaphore(%run_scoped3A_114 : memref<!tpu.dma_semaphore, #tpu.memory_space<semaphore_mem>>) src(%dma_wait3A_133 : memref<128x64xf32, #tpu.memory_space<vmem>>) dst(%dma_wait3A_130 : memref<128x64xf32, #tpu.memory_space<vmem_shared>>)
      tpu.yield
    }) : () -> ()
    %add3A_26 = arith.constant 256 : i32
    %add3A_27 = arith.addi %mul3A_0, %add3A_26 : i32
    "tpu.region"() ({
      %run_scoped3A_114 = tpu.sem_alloc : memref<!tpu.dma_semaphore, #tpu.memory_space<semaphore_mem>>
      %dma_start3A_115 = arith.constant 0 : i32
      %dma_start3A_116 = arith.constant 0 : i32
      %dma_start3A_117 = tpu.memref_slice %arg8[%dma_start3A_115, %dma_start3A_116] : memref<640x64xf32, #tpu.memory_space<vmem>> -> memref<128x64xf32, #tpu.memory_space<vmem>>
      %dma_start3A_118 = arith.constant 0 : i32
      %dma_start3A_119 = tpu.memref_slice %arg10[%add3A_27, %dma_start3A_118] : memref<10112x64xf32, #tpu.memory_space<vmem_shared>> -> memref<128x64xf32, #tpu.memory_space<vmem_shared>>
      %dma_start3A_120 = arith.constant 0 : i32
      %dma_start3A_121 = tpu.memref_slice %arg10[%add3A_27, %dma_start3A_120] : memref<10112x64xf32, #tpu.memory_space<vmem_shared>> -> memref<128x64xf32, #tpu.memory_space<vmem_shared>>
      %dma_start3A_122 = arith.constant 0 : i32
      %dma_start3A_123 = arith.constant 0 : i32
      %dma_start3A_124 = tpu.memref_slice %arg8[%dma_start3A_122, %dma_start3A_123] : memref<640x64xf32, #tpu.memory_space<vmem>> -> memref<128x64xf32, #tpu.memory_space<vmem>>
      tpu.enqueue_dma source(%dma_start3A_124 : memref<128x64xf32, #tpu.memory_space<vmem>>) target(%dma_start3A_121 : memref<128x64xf32, #tpu.memory_space<vmem_shared>>) target_semaphore(%run_scoped3A_114 : memref<!tpu.dma_semaphore, #tpu.memory_space<semaphore_mem>>)
      %dma_wait3A = arith.constant 0 : i32
      %dma_wait3A_125 = arith.constant 0 : i32
      %dma_wait3A_126 = tpu.memref_slice %arg8[%dma_wait3A, %dma_wait3A_125] : memref<640x64xf32, #tpu.memory_space<vmem>> -> memref<128x64xf32, #tpu.memory_space<vmem>>
      %dma_wait3A_127 = arith.constant 0 : i32
      %dma_wait3A_128 = tpu.memref_slice %arg10[%add3A_27, %dma_wait3A_127] : memref<10112x64xf32, #tpu.memory_space<vmem_shared>> -> memref<128x64xf32, #tpu.memory_space<vmem_shared>>
      %dma_wait3A_129 = arith.constant 0 : i32
      %dma_wait3A_130 = tpu.memref_slice %arg10[%add3A_27, %dma_wait3A_129] : memref<10112x64xf32, #tpu.memory_space<vmem_shared>> -> memref<128x64xf32, #tpu.memory_space<vmem_shared>>
      %dma_wait3A_131 = arith.constant 0 : i32
      %dma_wait3A_132 = arith.constant 0 : i32
      %dma_wait3A_133 = tpu.memref_slice %arg8[%dma_wait3A_131, %dma_wait3A_132] : memref<640x64xf32, #tpu.memory_space<vmem>> -> memref<128x64xf32, #tpu.memory_space<vmem>>
      tpu.wait_dma2 semaphore(%run_scoped3A_114 : memref<!tpu.dma_semaphore, #tpu.memory_space<semaphore_mem>>) src(%dma_wait3A_133 : memref<128x64xf32, #tpu.memory_space<vmem>>) dst(%dma_wait3A_130 : memref<128x64xf32, #tpu.memory_space<vmem_shared>>)
      tpu.yield
    }) : () -> ()
    %add3A_28 = arith.constant 384 : i32
    %add3A_29 = arith.addi %mul3A_0, %add3A_28 : i32
    "tpu.region"() ({
      %run_scoped3A_114 = tpu.sem_alloc : memref<!tpu.dma_semaphore, #tpu.memory_space<semaphore_mem>>
      %dma_start3A_115 = arith.constant 0 : i32
      %dma_start3A_116 = arith.constant 0 : i32
      %dma_start3A_117 = tpu.memref_slice %arg8[%dma_start3A_115, %dma_start3A_116] : memref<640x64xf32, #tpu.memory_space<vmem>> -> memref<128x64xf32, #tpu.memory_space<vmem>>
      %dma_start3A_118 = arith.constant 0 : i32
      %dma_start3A_119 = tpu.memref_slice %arg10[%add3A_29, %dma_start3A_118] : memref<10112x64xf32, #tpu.memory_space<vmem_shared>> -> memref<128x64xf32, #tpu.memory_space<vmem_shared>>
      %dma_start3A_120 = arith.constant 0 : i32
      %dma_start3A_121 = tpu.memref_slice %arg10[%add3A_29, %dma_start3A_120] : memref<10112x64xf32, #tpu.memory_space<vmem_shared>> -> memref<128x64xf32, #tpu.memory_space<vmem_shared>>
      %dma_start3A_122 = arith.constant 0 : i32
      %dma_start3A_123 = arith.constant 0 : i32
      %dma_start3A_124 = tpu.memref_slice %arg8[%dma_start3A_122, %dma_start3A_123] : memref<640x64xf32, #tpu.memory_space<vmem>> -> memref<128x64xf32, #tpu.memory_space<vmem>>
      tpu.enqueue_dma source(%dma_start3A_124 : memref<128x64xf32, #tpu.memory_space<vmem>>) target(%dma_start3A_121 : memref<128x64xf32, #tpu.memory_space<vmem_shared>>) target_semaphore(%run_scoped3A_114 : memref<!tpu.dma_semaphore, #tpu.memory_space<semaphore_mem>>)
      %dma_wait3A = arith.constant 0 : i32
      %dma_wait3A_125 = arith.constant 0 : i32
      %dma_wait3A_126 = tpu.memref_slice %arg8[%dma_wait3A, %dma_wait3A_125] : memref<640x64xf32, #tpu.memory_space<vmem>> -> memref<128x64xf32, #tpu.memory_space<vmem>>
      %dma_wait3A_127 = arith.constant 0 : i32
      %dma_wait3A_128 = tpu.memref_slice %arg10[%add3A_29, %dma_wait3A_127] : memref<10112x64xf32, #tpu.memory_space<vmem_shared>> -> memref<128x64xf32, #tpu.memory_space<vmem_shared>>
      %dma_wait3A_129 = arith.constant 0 : i32
      %dma_wait3A_130 = tpu.memref_slice %arg10[%add3A_29, %dma_wait3A_129] : memref<10112x64xf32, #tpu.memory_space<vmem_shared>> -> memref<128x64xf32, #tpu.memory_space<vmem_shared>>
      %dma_wait3A_131 = arith.constant 0 : i32
      %dma_wait3A_132 = arith.constant 0 : i32
      %dma_wait3A_133 = tpu.memref_slice %arg8[%dma_wait3A_131, %dma_wait3A_132] : memref<640x64xf32, #tpu.memory_space<vmem>> -> memref<128x64xf32, #tpu.memory_space<vmem>>
      tpu.wait_dma2 semaphore(%run_scoped3A_114 : memref<!tpu.dma_semaphore, #tpu.memory_space<semaphore_mem>>) src(%dma_wait3A_133 : memref<128x64xf32, #tpu.memory_space<vmem>>) dst(%dma_wait3A_130 : memref<128x64xf32, #tpu.memory_space<vmem_shared>>)
      tpu.yield
    }) : () -> ()
    %add3A_30 = arith.constant 512 : i32
    %add3A_31 = arith.addi %mul3A_0, %add3A_30 : i32
    "tpu.region"() ({
      %run_scoped3A_114 = tpu.sem_alloc : memref<!tpu.dma_semaphore, #tpu.memory_space<semaphore_mem>>
      %dma_start3A_115 = arith.constant 0 : i32
      %dma_start3A_116 = arith.constant 0 : i32
      %dma_start3A_117 = tpu.memref_slice %arg8[%dma_start3A_115, %dma_start3A_116] : memref<640x64xf32, #tpu.memory_space<vmem>> -> memref<120x64xf32, #tpu.memory_space<vmem>>
      %dma_start3A_118 = arith.constant 0 : i32
      %dma_start3A_119 = tpu.memref_slice %arg10[%add3A_31, %dma_start3A_118] : memref<10112x64xf32, #tpu.memory_space<vmem_shared>> -> memref<120x64xf32, #tpu.memory_space<vmem_shared>>
      %dma_start3A_120 = arith.constant 0 : i32
      %dma_start3A_121 = tpu.memref_slice %arg10[%add3A_31, %dma_start3A_120] : memref<10112x64xf32, #tpu.memory_space<vmem_shared>> -> memref<120x64xf32, #tpu.memory_space<vmem_shared>>
      %dma_start3A_122 = arith.constant 0 : i32
      %dma_start3A_123 = arith.constant 0 : i32
      %dma_start3A_124 = tpu.memref_slice %arg8[%dma_start3A_122, %dma_start3A_123] : memref<640x64xf32, #tpu.memory_space<vmem>> -> memref<120x64xf32, #tpu.memory_space<vmem>>
      tpu.enqueue_dma source(%dma_start3A_124 : memref<120x64xf32, #tpu.memory_space<vmem>>) target(%dma_start3A_121 : memref<120x64xf32, #tpu.memory_space<vmem_shared>>) target_semaphore(%run_scoped3A_114 : memref<!tpu.dma_semaphore, #tpu.memory_space<semaphore_mem>>)
      %dma_wait3A = arith.constant 0 : i32
      %dma_wait3A_125 = arith.constant 0 : i32
      %dma_wait3A_126 = tpu.memref_slice %arg8[%dma_wait3A, %dma_wait3A_125] : memref<640x64xf32, #tpu.memory_space<vmem>> -> memref<120x64xf32, #tpu.memory_space<vmem>>
      %dma_wait3A_127 = arith.constant 0 : i32
      %dma_wait3A_128 = tpu.memref_slice %arg10[%add3A_31, %dma_wait3A_127] : memref<10112x64xf32, #tpu.memory_space<vmem_shared>> -> memref<120x64xf32, #tpu.memory_space<vmem_shared>>
      %dma_wait3A_129 = arith.constant 0 : i32
      %dma_wait3A_130 = tpu.memref_slice %arg10[%add3A_31, %dma_wait3A_129] : memref<10112x64xf32, #tpu.memory_space<vmem_shared>> -> memref<120x64xf32, #tpu.memory_space<vmem_shared>>
      %dma_wait3A_131 = arith.constant 0 : i32
      %dma_wait3A_132 = arith.constant 0 : i32
      %dma_wait3A_133 = tpu.memref_slice %arg8[%dma_wait3A_131, %dma_wait3A_132] : memref<640x64xf32, #tpu.memory_space<vmem>> -> memref<120x64xf32, #tpu.memory_space<vmem>>
      tpu.wait_dma2 semaphore(%run_scoped3A_114 : memref<!tpu.dma_semaphore, #tpu.memory_space<semaphore_mem>>) src(%dma_wait3A_133 : memref<120x64xf32, #tpu.memory_space<vmem>>) dst(%dma_wait3A_130 : memref<120x64xf32, #tpu.memory_space<vmem_shared>>)
      tpu.yield
    }) : () -> ()
    "tpu.region"() ({
      %run_scoped3A_114 = tpu.sem_alloc : memref<!tpu.dma_semaphore, #tpu.memory_space<semaphore_mem>>
      %dma_start3A_115 = arith.constant 0 : i32
      %dma_start3A_116 = tpu.memref_slice %arg9[%dma_start3A_115] : memref<768xf32, #tpu.memory_space<vmem>> -> memref<640xf32, #tpu.memory_space<vmem>>
      %dma_start3A_117 = arith.constant 0 : i32
      %dma_start3A_118 = tpu.memref_slice %dma_start3A_116[%dma_start3A_117] : memref<640xf32, #tpu.memory_space<vmem>> -> memref<632xf32, #tpu.memory_space<vmem>>
      %dma_start3A_119 = tpu.memref_slice %arg11[%mul3A_0] : memref<10112xf32, #tpu.memory_space<vmem_shared>> -> memref<632xf32, #tpu.memory_space<vmem_shared>>
      %dma_start3A_120 = tpu.memref_slice %arg11[%mul3A_0] : memref<10112xf32, #tpu.memory_space<vmem_shared>> -> memref<632xf32, #tpu.memory_space<vmem_shared>>
      %dma_start3A_121 = arith.constant 0 : i32
      %dma_start3A_122 = tpu.memref_slice %arg9[%dma_start3A_121] : memref<768xf32, #tpu.memory_space<vmem>> -> memref<640xf32, #tpu.memory_space<vmem>>
      %dma_start3A_123 = arith.constant 0 : i32
      %dma_start3A_124 = tpu.memref_slice %dma_start3A_122[%dma_start3A_123] : memref<640xf32, #tpu.memory_space<vmem>> -> memref<632xf32, #tpu.memory_space<vmem>>
      tpu.enqueue_dma source(%dma_start3A_124 : memref<632xf32, #tpu.memory_space<vmem>>) target(%dma_start3A_120 : memref<632xf32, #tpu.memory_space<vmem_shared>>) target_semaphore(%run_scoped3A_114 : memref<!tpu.dma_semaphore, #tpu.memory_space<semaphore_mem>>)
      %dma_wait3A = arith.constant 0 : i32
      %dma_wait3A_125 = tpu.memref_slice %arg9[%dma_wait3A] : memref<768xf32, #tpu.memory_space<vmem>> -> memref<640xf32, #tpu.memory_space<vmem>>
      %dma_wait3A_126 = arith.constant 0 : i32
      %dma_wait3A_127 = tpu.memref_slice %dma_wait3A_125[%dma_wait3A_126] : memref<640xf32, #tpu.memory_space<vmem>> -> memref<632xf32, #tpu.memory_space<vmem>>
      %dma_wait3A_128 = tpu.memref_slice %arg11[%mul3A_0] : memref<10112xf32, #tpu.memory_space<vmem_shared>> -> memref<632xf32, #tpu.memory_space<vmem_shared>>
      %dma_wait3A_129 = tpu.memref_slice %arg11[%mul3A_0] : memref<10112xf32, #tpu.memory_space<vmem_shared>> -> memref<632xf32, #tpu.memory_space<vmem_shared>>
      %dma_wait3A_130 = arith.constant 0 : i32
      %dma_wait3A_131 = tpu.memref_slice %arg9[%dma_wait3A_130] : memref<768xf32, #tpu.memory_space<vmem>> -> memref<640xf32, #tpu.memory_space<vmem>>
      %dma_wait3A_132 = arith.constant 0 : i32
      %dma_wait3A_133 = tpu.memref_slice %dma_wait3A_131[%dma_wait3A_132] : memref<640xf32, #tpu.memory_space<vmem>> -> memref<632xf32, #tpu.memory_space<vmem>>
      tpu.wait_dma2 semaphore(%run_scoped3A_114 : memref<!tpu.dma_semaphore, #tpu.memory_space<semaphore_mem>>) src(%dma_wait3A_133 : memref<632xf32, #tpu.memory_space<vmem>>) dst(%dma_wait3A_129 : memref<632xf32, #tpu.memory_space<vmem_shared>>)
      tpu.yield
    }) : () -> ()
    %barrier3A = arith.constant 0 : index
    tpu.barrier barrier_id(%barrier3A)
    %dma_start3A = arith.constant 0 : i32
    %dma_start3A_32 = arith.constant 0 : i32
    %dma_start3A_33 = arith.constant 0 : i32
    %dma_start3A_34 = arith.constant 0 : i32
    %dma_start3A_35 = tpu.memref_slice %arg8[%dma_start3A_33, %dma_start3A_34] : memref<640x64xf32, #tpu.memory_space<vmem>> -> memref<128x64xf32, #tpu.memory_space<vmem>>
    %dma_start3A_36 = arith.constant 0 : i32
    %dma_start3A_37 = tpu.memref_slice %arg7[%dma_start3A, %dma_start3A_32, %dma_start3A_36] : memref<2x160x128xi32, #tpu.memory_space<vmem>> -> memref<1x1x128xi32, #tpu.memory_space<vmem>>
    %dma_start3A_38 = tpu.memref_squeeze %dma_start3A_37 : memref<1x1x128xi32, #tpu.memory_space<vmem>> -> memref<128xi32, #tpu.memory_space<vmem>>
    %dma_start3A_39 = arith.constant 0 : i32
    %dma_start3A_40 = arith.constant 0 : i32
    %dma_start3A_41 = tpu.memref_slice %arg2[%dma_start3A_39, %dma_start3A_40] : memref<20000x64xf32, #tpu.memory_space<hbm>> -> memref<20000x64xf32, #tpu.memory_space<hbm>>
    tpu.enqueue_indirect_dma source(%dma_start3A_41 : memref<20000x64xf32, #tpu.memory_space<hbm>>) target(%dma_start3A_35 : memref<128x64xf32, #tpu.memory_space<vmem>>) offsets(%dma_start3A_38 : memref<128xi32, #tpu.memory_space<vmem>>) semaphore(%arg12 : memref<!tpu.dma_semaphore, #tpu.memory_space<semaphore_mem>>)
    %dma_start3A_42 = arith.constant 0 : i32
    %dma_start3A_43 = arith.constant 1 : i32
    %dma_start3A_44 = arith.constant 128 : i32
    %dma_start3A_45 = arith.constant 0 : i32
    %dma_start3A_46 = tpu.memref_slice %arg8[%dma_start3A_44, %dma_start3A_45] : memref<640x64xf32, #tpu.memory_space<vmem>> -> memref<128x64xf32, #tpu.memory_space<vmem>>
    %dma_start3A_47 = arith.constant 0 : i32
    %dma_start3A_48 = tpu.memref_slice %arg7[%dma_start3A_42, %dma_start3A_43, %dma_start3A_47] : memref<2x160x128xi32, #tpu.memory_space<vmem>> -> memref<1x1x128xi32, #tpu.memory_space<vmem>>
    %dma_start3A_49 = tpu.memref_squeeze %dma_start3A_48 : memref<1x1x128xi32, #tpu.memory_space<vmem>> -> memref<128xi32, #tpu.memory_space<vmem>>
    %dma_start3A_50 = arith.constant 0 : i32
    %dma_start3A_51 = arith.constant 0 : i32
    %dma_start3A_52 = tpu.memref_slice %arg2[%dma_start3A_50, %dma_start3A_51] : memref<20000x64xf32, #tpu.memory_space<hbm>> -> memref<20000x64xf32, #tpu.memory_space<hbm>>
    tpu.enqueue_indirect_dma source(%dma_start3A_52 : memref<20000x64xf32, #tpu.memory_space<hbm>>) target(%dma_start3A_46 : memref<128x64xf32, #tpu.memory_space<vmem>>) offsets(%dma_start3A_49 : memref<128xi32, #tpu.memory_space<vmem>>) semaphore(%arg13 : memref<!tpu.dma_semaphore, #tpu.memory_space<semaphore_mem>>)
    %dma_start3A_53 = arith.constant 0 : i32
    %dma_start3A_54 = arith.constant 2 : i32
    %dma_start3A_55 = arith.constant 256 : i32
    %dma_start3A_56 = arith.constant 0 : i32
    %dma_start3A_57 = tpu.memref_slice %arg8[%dma_start3A_55, %dma_start3A_56] : memref<640x64xf32, #tpu.memory_space<vmem>> -> memref<128x64xf32, #tpu.memory_space<vmem>>
    %dma_start3A_58 = arith.constant 0 : i32
    %dma_start3A_59 = tpu.memref_slice %arg7[%dma_start3A_53, %dma_start3A_54, %dma_start3A_58] : memref<2x160x128xi32, #tpu.memory_space<vmem>> -> memref<1x1x128xi32, #tpu.memory_space<vmem>>
    %dma_start3A_60 = tpu.memref_squeeze %dma_start3A_59 : memref<1x1x128xi32, #tpu.memory_space<vmem>> -> memref<128xi32, #tpu.memory_space<vmem>>
    %dma_start3A_61 = arith.constant 0 : i32
    %dma_start3A_62 = arith.constant 0 : i32
    %dma_start3A_63 = tpu.memref_slice %arg2[%dma_start3A_61, %dma_start3A_62] : memref<20000x64xf32, #tpu.memory_space<hbm>> -> memref<20000x64xf32, #tpu.memory_space<hbm>>
    tpu.enqueue_indirect_dma source(%dma_start3A_63 : memref<20000x64xf32, #tpu.memory_space<hbm>>) target(%dma_start3A_57 : memref<128x64xf32, #tpu.memory_space<vmem>>) offsets(%dma_start3A_60 : memref<128xi32, #tpu.memory_space<vmem>>) semaphore(%arg14 : memref<!tpu.dma_semaphore, #tpu.memory_space<semaphore_mem>>)
    %dma_start3A_64 = arith.constant 0 : i32
    %dma_start3A_65 = arith.constant 3 : i32
    %dma_start3A_66 = arith.constant 384 : i32
    %dma_start3A_67 = arith.constant 0 : i32
    %dma_start3A_68 = tpu.memref_slice %arg8[%dma_start3A_66, %dma_start3A_67] : memref<640x64xf32, #tpu.memory_space<vmem>> -> memref<128x64xf32, #tpu.memory_space<vmem>>
    %dma_start3A_69 = arith.constant 0 : i32
    %dma_start3A_70 = tpu.memref_slice %arg7[%dma_start3A_64, %dma_start3A_65, %dma_start3A_69] : memref<2x160x128xi32, #tpu.memory_space<vmem>> -> memref<1x1x128xi32, #tpu.memory_space<vmem>>
    %dma_start3A_71 = tpu.memref_squeeze %dma_start3A_70 : memref<1x1x128xi32, #tpu.memory_space<vmem>> -> memref<128xi32, #tpu.memory_space<vmem>>
    %dma_start3A_72 = arith.constant 0 : i32
    %dma_start3A_73 = arith.constant 0 : i32
    %dma_start3A_74 = tpu.memref_slice %arg2[%dma_start3A_72, %dma_start3A_73] : memref<20000x64xf32, #tpu.memory_space<hbm>> -> memref<20000x64xf32, #tpu.memory_space<hbm>>
    tpu.enqueue_indirect_dma source(%dma_start3A_74 : memref<20000x64xf32, #tpu.memory_space<hbm>>) target(%dma_start3A_68 : memref<128x64xf32, #tpu.memory_space<vmem>>) offsets(%dma_start3A_71 : memref<128xi32, #tpu.memory_space<vmem>>) semaphore(%arg15 : memref<!tpu.dma_semaphore, #tpu.memory_space<semaphore_mem>>)
    %dma_start3A_75 = arith.constant 0 : i32
    %dma_start3A_76 = arith.constant 4 : i32
    %dma_start3A_77 = arith.constant 512 : i32
    %dma_start3A_78 = arith.constant 0 : i32
    %dma_start3A_79 = tpu.memref_slice %arg8[%dma_start3A_77, %dma_start3A_78] : memref<640x64xf32, #tpu.memory_space<vmem>> -> memref<128x64xf32, #tpu.memory_space<vmem>>
    %dma_start3A_80 = arith.constant 0 : i32
    %dma_start3A_81 = tpu.memref_slice %arg7[%dma_start3A_75, %dma_start3A_76, %dma_start3A_80] : memref<2x160x128xi32, #tpu.memory_space<vmem>> -> memref<1x1x128xi32, #tpu.memory_space<vmem>>
    %dma_start3A_82 = tpu.memref_squeeze %dma_start3A_81 : memref<1x1x128xi32, #tpu.memory_space<vmem>> -> memref<128xi32, #tpu.memory_space<vmem>>
    %dma_start3A_83 = arith.constant 0 : i32
    %dma_start3A_84 = arith.constant 0 : i32
    %dma_start3A_85 = tpu.memref_slice %arg2[%dma_start3A_83, %dma_start3A_84] : memref<20000x64xf32, #tpu.memory_space<hbm>> -> memref<20000x64xf32, #tpu.memory_space<hbm>>
    tpu.enqueue_indirect_dma source(%dma_start3A_85 : memref<20000x64xf32, #tpu.memory_space<hbm>>) target(%dma_start3A_79 : memref<128x64xf32, #tpu.memory_space<vmem>>) offsets(%dma_start3A_82 : memref<128xi32, #tpu.memory_space<vmem>>) semaphore(%arg16 : memref<!tpu.dma_semaphore, #tpu.memory_space<semaphore_mem>>)
    %scan3A_86 = arith.constant 0 : i32
    %scan3A_87 = arith.constant 0 : i32
    %scan3A_88 = arith.constant 32 : i32
    %scan3A_89 = arith.addi %scan3A_87, %scan3A_88 : i32
    %scan3A_90 = arith.constant 1 : i32
    %scan3A_91 = scf.for %scan3A_114 = %scan3A_87 to %scan3A_89 step %scan3A_90 iter_args(%scan3A_115 = %scan3A_86) -> (i32)  : i32 {
      %mul3A_116 = arith.constant 5 : i32
      %mul3A_117 = arith.muli %scan3A_114, %mul3A_116 : i32
      %dma_wait3A = arith.constant 0 : i32
      %dma_wait3A_118 = arith.constant 0 : i32
      %dma_wait3A_119 = tpu.memref_slice %arg8[%dma_wait3A, %dma_wait3A_118] : memref<640x64xf32, #tpu.memory_space<vmem>> -> memref<128x64xf32, #tpu.memory_space<vmem>>
      %dma_wait3A_120 = arith.constant 0 : i32
      %dma_wait3A_121 = arith.constant 0 : i32
      %dma_wait3A_122 = tpu.memref_slice %arg2[%dma_wait3A_120, %dma_wait3A_121] : memref<20000x64xf32, #tpu.memory_space<hbm>> -> memref<128x64xf32, #tpu.memory_space<hbm>>
      %dma_wait3A_123 = arith.constant 0 : i32
      %dma_wait3A_124 = arith.constant 0 : i32
      %dma_wait3A_125 = tpu.memref_slice %arg8[%dma_wait3A_123, %dma_wait3A_124] : memref<640x64xf32, #tpu.memory_space<vmem>> -> memref<128x64xf32, #tpu.memory_space<vmem>>
      %dma_wait3A_126 = arith.constant 0 : i32
      %dma_wait3A_127 = arith.constant 0 : i32
      %dma_wait3A_128 = tpu.memref_slice %arg2[%dma_wait3A_126, %dma_wait3A_127] : memref<20000x64xf32, #tpu.memory_space<hbm>> -> memref<128x64xf32, #tpu.memory_space<hbm>>
      tpu.wait_dma2 semaphore(%arg12 : memref<!tpu.dma_semaphore, #tpu.memory_space<semaphore_mem>>) src(%dma_wait3A_128 : memref<128x64xf32, #tpu.memory_space<hbm>>) dst(%dma_wait3A_125 : memref<128x64xf32, #tpu.memory_space<vmem>>)
      %add3A_129 = arith.constant 0 : i32
      %add3A_130 = arith.addi %mul3A_117, %add3A_129 : i32
      %dma_start3A_131 = arith.constant 1 : i32
      %dma_start3A_132 = arith.constant 0 : i32
      %dma_start3A_133 = arith.constant 0 : i32
      %dma_start3A_134 = tpu.memref_slice %arg8[%dma_start3A_132, %dma_start3A_133] : memref<640x64xf32, #tpu.memory_space<vmem>> -> memref<128x64xf32, #tpu.memory_space<vmem>>
      %dma_start3A_135 = arith.constant 0 : i32
      %dma_start3A_136 = tpu.memref_slice %arg7[%dma_start3A_131, %add3A_130, %dma_start3A_135] : memref<2x160x128xi32, #tpu.memory_space<vmem>> -> memref<1x1x128xi32, #tpu.memory_space<vmem>>
      %dma_start3A_137 = tpu.memref_squeeze %dma_start3A_136 : memref<1x1x128xi32, #tpu.memory_space<vmem>> -> memref<128xi32, #tpu.memory_space<vmem>>
      %dma_start3A_138 = arith.constant 0 : i32
      %dma_start3A_139 = arith.constant 0 : i32
      %dma_start3A_140 = tpu.memref_slice %arg10[%dma_start3A_138, %dma_start3A_139] : memref<10112x64xf32, #tpu.memory_space<vmem_shared>> -> memref<10112x64xf32, #tpu.memory_space<vmem_shared>>
      tpu.enqueue_indirect_dma source(%dma_start3A_134 : memref<128x64xf32, #tpu.memory_space<vmem>>) target(%dma_start3A_140 : memref<10112x64xf32, #tpu.memory_space<vmem_shared>>) offsets(%dma_start3A_137 : memref<128xi32, #tpu.memory_space<vmem>>) semaphore(%arg17 : memref<!tpu.dma_semaphore, #tpu.memory_space<semaphore_mem>>) {add = true}
      %add3A_141 = arith.constant 0 : i32
      %add3A_142 = arith.addi %mul3A_117, %add3A_141 : i32
      %dma_start3A_143 = arith.constant 1 : i32
      %dma_start3A_144 = arith.constant 640 : i32
      %dma_start3A_145 = tpu.memref_slice %arg9[%dma_start3A_144] : memref<768xf32, #tpu.memory_space<vmem>> -> memref<128xf32, #tpu.memory_space<vmem>>
      %dma_start3A_146 = arith.constant 0 : i32
      %dma_start3A_147 = tpu.memref_slice %arg7[%dma_start3A_143, %add3A_142, %dma_start3A_146] : memref<2x160x128xi32, #tpu.memory_space<vmem>> -> memref<1x1x128xi32, #tpu.memory_space<vmem>>
      %dma_start3A_148 = tpu.memref_squeeze %dma_start3A_147 : memref<1x1x128xi32, #tpu.memory_space<vmem>> -> memref<128xi32, #tpu.memory_space<vmem>>
      %dma_start3A_149 = arith.constant 0 : i32
      %dma_start3A_150 = tpu.memref_slice %arg11[%dma_start3A_149] : memref<10112xf32, #tpu.memory_space<vmem_shared>> -> memref<10112xf32, #tpu.memory_space<vmem_shared>>
      tpu.enqueue_indirect_dma source(%dma_start3A_145 : memref<128xf32, #tpu.memory_space<vmem>>) target(%dma_start3A_150 : memref<10112xf32, #tpu.memory_space<vmem_shared>>) offsets(%dma_start3A_148 : memref<128xi32, #tpu.memory_space<vmem>>) semaphore(%arg22 : memref<!tpu.dma_semaphore, #tpu.memory_space<semaphore_mem>>) {add = true}
      %dma_wait3A_151 = arith.constant 128 : i32
      %dma_wait3A_152 = arith.constant 0 : i32
      %dma_wait3A_153 = tpu.memref_slice %arg8[%dma_wait3A_151, %dma_wait3A_152] : memref<640x64xf32, #tpu.memory_space<vmem>> -> memref<128x64xf32, #tpu.memory_space<vmem>>
      %dma_wait3A_154 = arith.constant 0 : i32
      %dma_wait3A_155 = arith.constant 0 : i32
      %dma_wait3A_156 = tpu.memref_slice %arg2[%dma_wait3A_154, %dma_wait3A_155] : memref<20000x64xf32, #tpu.memory_space<hbm>> -> memref<128x64xf32, #tpu.memory_space<hbm>>
      %dma_wait3A_157 = arith.constant 128 : i32
      %dma_wait3A_158 = arith.constant 0 : i32
      %dma_wait3A_159 = tpu.memref_slice %arg8[%dma_wait3A_157, %dma_wait3A_158] : memref<640x64xf32, #tpu.memory_space<vmem>> -> memref<128x64xf32, #tpu.memory_space<vmem>>
      %dma_wait3A_160 = arith.constant 0 : i32
      %dma_wait3A_161 = arith.constant 0 : i32
      %dma_wait3A_162 = tpu.memref_slice %arg2[%dma_wait3A_160, %dma_wait3A_161] : memref<20000x64xf32, #tpu.memory_space<hbm>> -> memref<128x64xf32, #tpu.memory_space<hbm>>
      tpu.wait_dma2 semaphore(%arg13 : memref<!tpu.dma_semaphore, #tpu.memory_space<semaphore_mem>>) src(%dma_wait3A_162 : memref<128x64xf32, #tpu.memory_space<hbm>>) dst(%dma_wait3A_159 : memref<128x64xf32, #tpu.memory_space<vmem>>)
      %add3A_163 = arith.constant 1 : i32
      %add3A_164 = arith.addi %mul3A_117, %add3A_163 : i32
      %dma_start3A_165 = arith.constant 1 : i32
      %dma_start3A_166 = arith.constant 128 : i32
      %dma_start3A_167 = arith.constant 0 : i32
      %dma_start3A_168 = tpu.memref_slice %arg8[%dma_start3A_166, %dma_start3A_167] : memref<640x64xf32, #tpu.memory_space<vmem>> -> memref<128x64xf32, #tpu.memory_space<vmem>>
      %dma_start3A_169 = arith.constant 0 : i32
      %dma_start3A_170 = tpu.memref_slice %arg7[%dma_start3A_165, %add3A_164, %dma_start3A_169] : memref<2x160x128xi32, #tpu.memory_space<vmem>> -> memref<1x1x128xi32, #tpu.memory_space<vmem>>
      %dma_start3A_171 = tpu.memref_squeeze %dma_start3A_170 : memref<1x1x128xi32, #tpu.memory_space<vmem>> -> memref<128xi32, #tpu.memory_space<vmem>>
      %dma_start3A_172 = arith.constant 0 : i32
      %dma_start3A_173 = arith.constant 0 : i32
      %dma_start3A_174 = tpu.memref_slice %arg10[%dma_start3A_172, %dma_start3A_173] : memref<10112x64xf32, #tpu.memory_space<vmem_shared>> -> memref<10112x64xf32, #tpu.memory_space<vmem_shared>>
      tpu.enqueue_indirect_dma source(%dma_start3A_168 : memref<128x64xf32, #tpu.memory_space<vmem>>) target(%dma_start3A_174 : memref<10112x64xf32, #tpu.memory_space<vmem_shared>>) offsets(%dma_start3A_171 : memref<128xi32, #tpu.memory_space<vmem>>) semaphore(%arg18 : memref<!tpu.dma_semaphore, #tpu.memory_space<semaphore_mem>>) {add = true}
      %add3A_175 = arith.constant 1 : i32
      %add3A_176 = arith.addi %mul3A_117, %add3A_175 : i32
      %dma_start3A_177 = arith.constant 1 : i32
      %dma_start3A_178 = arith.constant 640 : i32
      %dma_start3A_179 = tpu.memref_slice %arg9[%dma_start3A_178] : memref<768xf32, #tpu.memory_space<vmem>> -> memref<128xf32, #tpu.memory_space<vmem>>
      %dma_start3A_180 = arith.constant 0 : i32
      %dma_start3A_181 = tpu.memref_slice %arg7[%dma_start3A_177, %add3A_176, %dma_start3A_180] : memref<2x160x128xi32, #tpu.memory_space<vmem>> -> memref<1x1x128xi32, #tpu.memory_space<vmem>>
      %dma_start3A_182 = tpu.memref_squeeze %dma_start3A_181 : memref<1x1x128xi32, #tpu.memory_space<vmem>> -> memref<128xi32, #tpu.memory_space<vmem>>
      %dma_start3A_183 = arith.constant 0 : i32
      %dma_start3A_184 = tpu.memref_slice %arg11[%dma_start3A_183] : memref<10112xf32, #tpu.memory_space<vmem_shared>> -> memref<10112xf32, #tpu.memory_space<vmem_shared>>
      tpu.enqueue_indirect_dma source(%dma_start3A_179 : memref<128xf32, #tpu.memory_space<vmem>>) target(%dma_start3A_184 : memref<10112xf32, #tpu.memory_space<vmem_shared>>) offsets(%dma_start3A_182 : memref<128xi32, #tpu.memory_space<vmem>>) semaphore(%arg22 : memref<!tpu.dma_semaphore, #tpu.memory_space<semaphore_mem>>) {add = true}
      %dma_wait3A_185 = arith.constant 256 : i32
      %dma_wait3A_186 = arith.constant 0 : i32
      %dma_wait3A_187 = tpu.memref_slice %arg8[%dma_wait3A_185, %dma_wait3A_186] : memref<640x64xf32, #tpu.memory_space<vmem>> -> memref<128x64xf32, #tpu.memory_space<vmem>>
      %dma_wait3A_188 = arith.constant 0 : i32
      %dma_wait3A_189 = arith.constant 0 : i32
      %dma_wait3A_190 = tpu.memref_slice %arg2[%dma_wait3A_188, %dma_wait3A_189] : memref<20000x64xf32, #tpu.memory_space<hbm>> -> memref<128x64xf32, #tpu.memory_space<hbm>>
      %dma_wait3A_191 = arith.constant 256 : i32
      %dma_wait3A_192 = arith.constant 0 : i32
      %dma_wait3A_193 = tpu.memref_slice %arg8[%dma_wait3A_191, %dma_wait3A_192] : memref<640x64xf32, #tpu.memory_space<vmem>> -> memref<128x64xf32, #tpu.memory_space<vmem>>
      %dma_wait3A_194 = arith.constant 0 : i32
      %dma_wait3A_195 = arith.constant 0 : i32
      %dma_wait3A_196 = tpu.memref_slice %arg2[%dma_wait3A_194, %dma_wait3A_195] : memref<20000x64xf32, #tpu.memory_space<hbm>> -> memref<128x64xf32, #tpu.memory_space<hbm>>
      tpu.wait_dma2 semaphore(%arg14 : memref<!tpu.dma_semaphore, #tpu.memory_space<semaphore_mem>>) src(%dma_wait3A_196 : memref<128x64xf32, #tpu.memory_space<hbm>>) dst(%dma_wait3A_193 : memref<128x64xf32, #tpu.memory_space<vmem>>)
      %add3A_197 = arith.constant 2 : i32
      %add3A_198 = arith.addi %mul3A_117, %add3A_197 : i32
      %dma_start3A_199 = arith.constant 1 : i32
      %dma_start3A_200 = arith.constant 256 : i32
      %dma_start3A_201 = arith.constant 0 : i32
      %dma_start3A_202 = tpu.memref_slice %arg8[%dma_start3A_200, %dma_start3A_201] : memref<640x64xf32, #tpu.memory_space<vmem>> -> memref<128x64xf32, #tpu.memory_space<vmem>>
      %dma_start3A_203 = arith.constant 0 : i32
      %dma_start3A_204 = tpu.memref_slice %arg7[%dma_start3A_199, %add3A_198, %dma_start3A_203] : memref<2x160x128xi32, #tpu.memory_space<vmem>> -> memref<1x1x128xi32, #tpu.memory_space<vmem>>
      %dma_start3A_205 = tpu.memref_squeeze %dma_start3A_204 : memref<1x1x128xi32, #tpu.memory_space<vmem>> -> memref<128xi32, #tpu.memory_space<vmem>>
      %dma_start3A_206 = arith.constant 0 : i32
      %dma_start3A_207 = arith.constant 0 : i32
      %dma_start3A_208 = tpu.memref_slice %arg10[%dma_start3A_206, %dma_start3A_207] : memref<10112x64xf32, #tpu.memory_space<vmem_shared>> -> memref<10112x64xf32, #tpu.memory_space<vmem_shared>>
      tpu.enqueue_indirect_dma source(%dma_start3A_202 : memref<128x64xf32, #tpu.memory_space<vmem>>) target(%dma_start3A_208 : memref<10112x64xf32, #tpu.memory_space<vmem_shared>>) offsets(%dma_start3A_205 : memref<128xi32, #tpu.memory_space<vmem>>) semaphore(%arg19 : memref<!tpu.dma_semaphore, #tpu.memory_space<semaphore_mem>>) {add = true}
      %add3A_209 = arith.constant 2 : i32
      %add3A_210 = arith.addi %mul3A_117, %add3A_209 : i32
      %dma_start3A_211 = arith.constant 1 : i32
      %dma_start3A_212 = arith.constant 640 : i32
      %dma_start3A_213 = tpu.memref_slice %arg9[%dma_start3A_212] : memref<768xf32, #tpu.memory_space<vmem>> -> memref<128xf32, #tpu.memory_space<vmem>>
      %dma_start3A_214 = arith.constant 0 : i32
      %dma_start3A_215 = tpu.memref_slice %arg7[%dma_start3A_211, %add3A_210, %dma_start3A_214] : memref<2x160x128xi32, #tpu.memory_space<vmem>> -> memref<1x1x128xi32, #tpu.memory_space<vmem>>
      %dma_start3A_216 = tpu.memref_squeeze %dma_start3A_215 : memref<1x1x128xi32, #tpu.memory_space<vmem>> -> memref<128xi32, #tpu.memory_space<vmem>>
      %dma_start3A_217 = arith.constant 0 : i32
      %dma_start3A_218 = tpu.memref_slice %arg11[%dma_start3A_217] : memref<10112xf32, #tpu.memory_space<vmem_shared>> -> memref<10112xf32, #tpu.memory_space<vmem_shared>>
      tpu.enqueue_indirect_dma source(%dma_start3A_213 : memref<128xf32, #tpu.memory_space<vmem>>) target(%dma_start3A_218 : memref<10112xf32, #tpu.memory_space<vmem_shared>>) offsets(%dma_start3A_216 : memref<128xi32, #tpu.memory_space<vmem>>) semaphore(%arg22 : memref<!tpu.dma_semaphore, #tpu.memory_space<semaphore_mem>>) {add = true}
      %dma_wait3A_219 = arith.constant 384 : i32
      %dma_wait3A_220 = arith.constant 0 : i32
      %dma_wait3A_221 = tpu.memref_slice %arg8[%dma_wait3A_219, %dma_wait3A_220] : memref<640x64xf32, #tpu.memory_space<vmem>> -> memref<128x64xf32, #tpu.memory_space<vmem>>
      %dma_wait3A_222 = arith.constant 0 : i32
      %dma_wait3A_223 = arith.constant 0 : i32
      %dma_wait3A_224 = tpu.memref_slice %arg2[%dma_wait3A_222, %dma_wait3A_223] : memref<20000x64xf32, #tpu.memory_space<hbm>> -> memref<128x64xf32, #tpu.memory_space<hbm>>
      %dma_wait3A_225 = arith.constant 384 : i32
      %dma_wait3A_226 = arith.constant 0 : i32
      %dma_wait3A_227 = tpu.memref_slice %arg8[%dma_wait3A_225, %dma_wait3A_226] : memref<640x64xf32, #tpu.memory_space<vmem>> -> memref<128x64xf32, #tpu.memory_space<vmem>>
      %dma_wait3A_228 = arith.constant 0 : i32
      %dma_wait3A_229 = arith.constant 0 : i32
      %dma_wait3A_230 = tpu.memref_slice %arg2[%dma_wait3A_228, %dma_wait3A_229] : memref<20000x64xf32, #tpu.memory_space<hbm>> -> memref<128x64xf32, #tpu.memory_space<hbm>>
      tpu.wait_dma2 semaphore(%arg15 : memref<!tpu.dma_semaphore, #tpu.memory_space<semaphore_mem>>) src(%dma_wait3A_230 : memref<128x64xf32, #tpu.memory_space<hbm>>) dst(%dma_wait3A_227 : memref<128x64xf32, #tpu.memory_space<vmem>>)
      %add3A_231 = arith.constant 3 : i32
      %add3A_232 = arith.addi %mul3A_117, %add3A_231 : i32
      %dma_start3A_233 = arith.constant 1 : i32
      %dma_start3A_234 = arith.constant 384 : i32
      %dma_start3A_235 = arith.constant 0 : i32
      %dma_start3A_236 = tpu.memref_slice %arg8[%dma_start3A_234, %dma_start3A_235] : memref<640x64xf32, #tpu.memory_space<vmem>> -> memref<128x64xf32, #tpu.memory_space<vmem>>
      %dma_start3A_237 = arith.constant 0 : i32
      %dma_start3A_238 = tpu.memref_slice %arg7[%dma_start3A_233, %add3A_232, %dma_start3A_237] : memref<2x160x128xi32, #tpu.memory_space<vmem>> -> memref<1x1x128xi32, #tpu.memory_space<vmem>>
      %dma_start3A_239 = tpu.memref_squeeze %dma_start3A_238 : memref<1x1x128xi32, #tpu.memory_space<vmem>> -> memref<128xi32, #tpu.memory_space<vmem>>
      %dma_start3A_240 = arith.constant 0 : i32
      %dma_start3A_241 = arith.constant 0 : i32
      %dma_start3A_242 = tpu.memref_slice %arg10[%dma_start3A_240, %dma_start3A_241] : memref<10112x64xf32, #tpu.memory_space<vmem_shared>> -> memref<10112x64xf32, #tpu.memory_space<vmem_shared>>
      tpu.enqueue_indirect_dma source(%dma_start3A_236 : memref<128x64xf32, #tpu.memory_space<vmem>>) target(%dma_start3A_242 : memref<10112x64xf32, #tpu.memory_space<vmem_shared>>) offsets(%dma_start3A_239 : memref<128xi32, #tpu.memory_space<vmem>>) semaphore(%arg20 : memref<!tpu.dma_semaphore, #tpu.memory_space<semaphore_mem>>) {add = true}
      %add3A_243 = arith.constant 3 : i32
      %add3A_244 = arith.addi %mul3A_117, %add3A_243 : i32
      %dma_start3A_245 = arith.constant 1 : i32
      %dma_start3A_246 = arith.constant 640 : i32
      %dma_start3A_247 = tpu.memref_slice %arg9[%dma_start3A_246] : memref<768xf32, #tpu.memory_space<vmem>> -> memref<128xf32, #tpu.memory_space<vmem>>
      %dma_start3A_248 = arith.constant 0 : i32
      %dma_start3A_249 = tpu.memref_slice %arg7[%dma_start3A_245, %add3A_244, %dma_start3A_248] : memref<2x160x128xi32, #tpu.memory_space<vmem>> -> memref<1x1x128xi32, #tpu.memory_space<vmem>>
      %dma_start3A_250 = tpu.memref_squeeze %dma_start3A_249 : memref<1x1x128xi32, #tpu.memory_space<vmem>> -> memref<128xi32, #tpu.memory_space<vmem>>
      %dma_start3A_251 = arith.constant 0 : i32
      %dma_start3A_252 = tpu.memref_slice %arg11[%dma_start3A_251] : memref<10112xf32, #tpu.memory_space<vmem_shared>> -> memref<10112xf32, #tpu.memory_space<vmem_shared>>
      tpu.enqueue_indirect_dma source(%dma_start3A_247 : memref<128xf32, #tpu.memory_space<vmem>>) target(%dma_start3A_252 : memref<10112xf32, #tpu.memory_space<vmem_shared>>) offsets(%dma_start3A_250 : memref<128xi32, #tpu.memory_space<vmem>>) semaphore(%arg22 : memref<!tpu.dma_semaphore, #tpu.memory_space<semaphore_mem>>) {add = true}
      %dma_wait3A_253 = arith.constant 512 : i32
      %dma_wait3A_254 = arith.constant 0 : i32
      %dma_wait3A_255 = tpu.memref_slice %arg8[%dma_wait3A_253, %dma_wait3A_254] : memref<640x64xf32, #tpu.memory_space<vmem>> -> memref<128x64xf32, #tpu.memory_space<vmem>>
      %dma_wait3A_256 = arith.constant 0 : i32
      %dma_wait3A_257 = arith.constant 0 : i32
      %dma_wait3A_258 = tpu.memref_slice %arg2[%dma_wait3A_256, %dma_wait3A_257] : memref<20000x64xf32, #tpu.memory_space<hbm>> -> memref<128x64xf32, #tpu.memory_space<hbm>>
      %dma_wait3A_259 = arith.constant 512 : i32
      %dma_wait3A_260 = arith.constant 0 : i32
      %dma_wait3A_261 = tpu.memref_slice %arg8[%dma_wait3A_259, %dma_wait3A_260] : memref<640x64xf32, #tpu.memory_space<vmem>> -> memref<128x64xf32, #tpu.memory_space<vmem>>
      %dma_wait3A_262 = arith.constant 0 : i32
      %dma_wait3A_263 = arith.constant 0 : i32
      %dma_wait3A_264 = tpu.memref_slice %arg2[%dma_wait3A_262, %dma_wait3A_263] : memref<20000x64xf32, #tpu.memory_space<hbm>> -> memref<128x64xf32, #tpu.memory_space<hbm>>
      tpu.wait_dma2 semaphore(%arg16 : memref<!tpu.dma_semaphore, #tpu.memory_space<semaphore_mem>>) src(%dma_wait3A_264 : memref<128x64xf32, #tpu.memory_space<hbm>>) dst(%dma_wait3A_261 : memref<128x64xf32, #tpu.memory_space<vmem>>)
      %add3A_265 = arith.constant 4 : i32
      %add3A_266 = arith.addi %mul3A_117, %add3A_265 : i32
      %dma_start3A_267 = arith.constant 1 : i32
      %dma_start3A_268 = arith.constant 512 : i32
      %dma_start3A_269 = arith.constant 0 : i32
      %dma_start3A_270 = tpu.memref_slice %arg8[%dma_start3A_268, %dma_start3A_269] : memref<640x64xf32, #tpu.memory_space<vmem>> -> memref<128x64xf32, #tpu.memory_space<vmem>>
      %dma_start3A_271 = arith.constant 0 : i32
      %dma_start3A_272 = tpu.memref_slice %arg7[%dma_start3A_267, %add3A_266, %dma_start3A_271] : memref<2x160x128xi32, #tpu.memory_space<vmem>> -> memref<1x1x128xi32, #tpu.memory_space<vmem>>
      %dma_start3A_273 = tpu.memref_squeeze %dma_start3A_272 : memref<1x1x128xi32, #tpu.memory_space<vmem>> -> memref<128xi32, #tpu.memory_space<vmem>>
      %dma_start3A_274 = arith.constant 0 : i32
      %dma_start3A_275 = arith.constant 0 : i32
      %dma_start3A_276 = tpu.memref_slice %arg10[%dma_start3A_274, %dma_start3A_275] : memref<10112x64xf32, #tpu.memory_space<vmem_shared>> -> memref<10112x64xf32, #tpu.memory_space<vmem_shared>>
      tpu.enqueue_indirect_dma source(%dma_start3A_270 : memref<128x64xf32, #tpu.memory_space<vmem>>) target(%dma_start3A_276 : memref<10112x64xf32, #tpu.memory_space<vmem_shared>>) offsets(%dma_start3A_273 : memref<128xi32, #tpu.memory_space<vmem>>) semaphore(%arg21 : memref<!tpu.dma_semaphore, #tpu.memory_space<semaphore_mem>>) {add = true}
      %add3A_277 = arith.constant 4 : i32
      %add3A_278 = arith.addi %mul3A_117, %add3A_277 : i32
      %dma_start3A_279 = arith.constant 1 : i32
      %dma_start3A_280 = arith.constant 640 : i32
      %dma_start3A_281 = tpu.memref_slice %arg9[%dma_start3A_280] : memref<768xf32, #tpu.memory_space<vmem>> -> memref<128xf32, #tpu.memory_space<vmem>>
      %dma_start3A_282 = arith.constant 0 : i32
      %dma_start3A_283 = tpu.memref_slice %arg7[%dma_start3A_279, %add3A_278, %dma_start3A_282] : memref<2x160x128xi32, #tpu.memory_space<vmem>> -> memref<1x1x128xi32, #tpu.memory_space<vmem>>
      %dma_start3A_284 = tpu.memref_squeeze %dma_start3A_283 : memref<1x1x128xi32, #tpu.memory_space<vmem>> -> memref<128xi32, #tpu.memory_space<vmem>>
      %dma_start3A_285 = arith.constant 0 : i32
      %dma_start3A_286 = tpu.memref_slice %arg11[%dma_start3A_285] : memref<10112xf32, #tpu.memory_space<vmem_shared>> -> memref<10112xf32, #tpu.memory_space<vmem_shared>>
      tpu.enqueue_indirect_dma source(%dma_start3A_281 : memref<128xf32, #tpu.memory_space<vmem>>) target(%dma_start3A_286 : memref<10112xf32, #tpu.memory_space<vmem_shared>>) offsets(%dma_start3A_284 : memref<128xi32, #tpu.memory_space<vmem>>) semaphore(%arg22 : memref<!tpu.dma_semaphore, #tpu.memory_space<semaphore_mem>>) {add = true}
      %dma_wait3A_287 = arith.constant 0 : i32
      %dma_wait3A_288 = arith.constant 0 : i32
      %dma_wait3A_289 = tpu.memref_slice %arg8[%dma_wait3A_287, %dma_wait3A_288] : memref<640x64xf32, #tpu.memory_space<vmem>> -> memref<128x64xf32, #tpu.memory_space<vmem>>
      %dma_wait3A_290 = arith.constant 0 : i32
      %dma_wait3A_291 = arith.constant 0 : i32
      %dma_wait3A_292 = tpu.memref_slice %arg10[%dma_wait3A_290, %dma_wait3A_291] : memref<10112x64xf32, #tpu.memory_space<vmem_shared>> -> memref<128x64xf32, #tpu.memory_space<vmem_shared>>
      %dma_wait3A_293 = arith.constant 0 : i32
      %dma_wait3A_294 = arith.constant 0 : i32
      %dma_wait3A_295 = tpu.memref_slice %arg10[%dma_wait3A_293, %dma_wait3A_294] : memref<10112x64xf32, #tpu.memory_space<vmem_shared>> -> memref<128x64xf32, #tpu.memory_space<vmem_shared>>
      %dma_wait3A_296 = arith.constant 0 : i32
      %dma_wait3A_297 = arith.constant 0 : i32
      %dma_wait3A_298 = tpu.memref_slice %arg8[%dma_wait3A_296, %dma_wait3A_297] : memref<640x64xf32, #tpu.memory_space<vmem>> -> memref<128x64xf32, #tpu.memory_space<vmem>>
      tpu.wait_dma2 semaphore(%arg17 : memref<!tpu.dma_semaphore, #tpu.memory_space<semaphore_mem>>) src(%dma_wait3A_298 : memref<128x64xf32, #tpu.memory_space<vmem>>) dst(%dma_wait3A_295 : memref<128x64xf32, #tpu.memory_space<vmem_shared>>)
      %lt3A = arith.constant 31 : i32
      %lt3A_299 = arith.cmpi slt, %scan3A_114, %lt3A : i32
      %convert_element_type3A = arith.extui %lt3A_299 : i1 to i32
      %cond3A = arith.constant 0 : i32
      %cond3A_300 = arith.cmpi ne, %convert_element_type3A, %cond3A : i32
      scf.if %cond3A_300 {
        %add3A_410 = arith.constant 5 : i32
        %add3A_411 = arith.addi %mul3A_117, %add3A_410 : i32
        %add3A_412 = arith.constant 0 : i32
        %add3A_413 = arith.addi %add3A_411, %add3A_412 : i32
        %dma_start3A_414 = arith.constant 0 : i32
        %dma_start3A_415 = arith.constant 0 : i32
        %dma_start3A_416 = arith.constant 0 : i32
        %dma_start3A_417 = tpu.memref_slice %arg8[%dma_start3A_415, %dma_start3A_416] : memref<640x64xf32, #tpu.memory_space<vmem>> -> memref<128x64xf32, #tpu.memory_space<vmem>>
        %dma_start3A_418 = arith.constant 0 : i32
        %dma_start3A_419 = tpu.memref_slice %arg7[%dma_start3A_414, %add3A_413, %dma_start3A_418] : memref<2x160x128xi32, #tpu.memory_space<vmem>> -> memref<1x1x128xi32, #tpu.memory_space<vmem>>
        %dma_start3A_420 = tpu.memref_squeeze %dma_start3A_419 : memref<1x1x128xi32, #tpu.memory_space<vmem>> -> memref<128xi32, #tpu.memory_space<vmem>>
        %dma_start3A_421 = arith.constant 0 : i32
        %dma_start3A_422 = arith.constant 0 : i32
        %dma_start3A_423 = tpu.memref_slice %arg2[%dma_start3A_421, %dma_start3A_422] : memref<20000x64xf32, #tpu.memory_space<hbm>> -> memref<20000x64xf32, #tpu.memory_space<hbm>>
        tpu.enqueue_indirect_dma source(%dma_start3A_423 : memref<20000x64xf32, #tpu.memory_space<hbm>>) target(%dma_start3A_417 : memref<128x64xf32, #tpu.memory_space<vmem>>) offsets(%dma_start3A_420 : memref<128xi32, #tpu.memory_space<vmem>>) semaphore(%arg12 : memref<!tpu.dma_semaphore, #tpu.memory_space<semaphore_mem>>)
      } else {
      }
      %dma_wait3A_301 = arith.constant 128 : i32
      %dma_wait3A_302 = arith.constant 0 : i32
      %dma_wait3A_303 = tpu.memref_slice %arg8[%dma_wait3A_301, %dma_wait3A_302] : memref<640x64xf32, #tpu.memory_space<vmem>> -> memref<128x64xf32, #tpu.memory_space<vmem>>
      %dma_wait3A_304 = arith.constant 0 : i32
      %dma_wait3A_305 = arith.constant 0 : i32
      %dma_wait3A_306 = tpu.memref_slice %arg10[%dma_wait3A_304, %dma_wait3A_305] : memref<10112x64xf32, #tpu.memory_space<vmem_shared>> -> memref<128x64xf32, #tpu.memory_space<vmem_shared>>
      %dma_wait3A_307 = arith.constant 0 : i32
      %dma_wait3A_308 = arith.constant 0 : i32
      %dma_wait3A_309 = tpu.memref_slice %arg10[%dma_wait3A_307, %dma_wait3A_308] : memref<10112x64xf32, #tpu.memory_space<vmem_shared>> -> memref<128x64xf32, #tpu.memory_space<vmem_shared>>
      %dma_wait3A_310 = arith.constant 128 : i32
      %dma_wait3A_311 = arith.constant 0 : i32
      %dma_wait3A_312 = tpu.memref_slice %arg8[%dma_wait3A_310, %dma_wait3A_311] : memref<640x64xf32, #tpu.memory_space<vmem>> -> memref<128x64xf32, #tpu.memory_space<vmem>>
      tpu.wait_dma2 semaphore(%arg18 : memref<!tpu.dma_semaphore, #tpu.memory_space<semaphore_mem>>) src(%dma_wait3A_312 : memref<128x64xf32, #tpu.memory_space<vmem>>) dst(%dma_wait3A_309 : memref<128x64xf32, #tpu.memory_space<vmem_shared>>)
      %lt3A_313 = arith.constant 31 : i32
      %lt3A_314 = arith.cmpi slt, %scan3A_114, %lt3A_313 : i32
      %convert_element_type3A_315 = arith.extui %lt3A_314 : i1 to i32
      %cond3A_316 = arith.constant 0 : i32
      %cond3A_317 = arith.cmpi ne, %convert_element_type3A_315, %cond3A_316 : i32
      scf.if %cond3A_317 {
        %add3A_410 = arith.constant 5 : i32
        %add3A_411 = arith.addi %mul3A_117, %add3A_410 : i32
        %add3A_412 = arith.constant 1 : i32
        %add3A_413 = arith.addi %add3A_411, %add3A_412 : i32
        %dma_start3A_414 = arith.constant 0 : i32
        %dma_start3A_415 = arith.constant 128 : i32
        %dma_start3A_416 = arith.constant 0 : i32
        %dma_start3A_417 = tpu.memref_slice %arg8[%dma_start3A_415, %dma_start3A_416] : memref<640x64xf32, #tpu.memory_space<vmem>> -> memref<128x64xf32, #tpu.memory_space<vmem>>
        %dma_start3A_418 = arith.constant 0 : i32
        %dma_start3A_419 = tpu.memref_slice %arg7[%dma_start3A_414, %add3A_413, %dma_start3A_418] : memref<2x160x128xi32, #tpu.memory_space<vmem>> -> memref<1x1x128xi32, #tpu.memory_space<vmem>>
        %dma_start3A_420 = tpu.memref_squeeze %dma_start3A_419 : memref<1x1x128xi32, #tpu.memory_space<vmem>> -> memref<128xi32, #tpu.memory_space<vmem>>
        %dma_start3A_421 = arith.constant 0 : i32
        %dma_start3A_422 = arith.constant 0 : i32
        %dma_start3A_423 = tpu.memref_slice %arg2[%dma_start3A_421, %dma_start3A_422] : memref<20000x64xf32, #tpu.memory_space<hbm>> -> memref<20000x64xf32, #tpu.memory_space<hbm>>
        tpu.enqueue_indirect_dma source(%dma_start3A_423 : memref<20000x64xf32, #tpu.memory_space<hbm>>) target(%dma_start3A_417 : memref<128x64xf32, #tpu.memory_space<vmem>>) offsets(%dma_start3A_420 : memref<128xi32, #tpu.memory_space<vmem>>) semaphore(%arg13 : memref<!tpu.dma_semaphore, #tpu.memory_space<semaphore_mem>>)
      } else {
      }
      %dma_wait3A_318 = arith.constant 256 : i32
      %dma_wait3A_319 = arith.constant 0 : i32
      %dma_wait3A_320 = tpu.memref_slice %arg8[%dma_wait3A_318, %dma_wait3A_319] : memref<640x64xf32, #tpu.memory_space<vmem>> -> memref<128x64xf32, #tpu.memory_space<vmem>>
      %dma_wait3A_321 = arith.constant 0 : i32
      %dma_wait3A_322 = arith.constant 0 : i32
      %dma_wait3A_323 = tpu.memref_slice %arg10[%dma_wait3A_321, %dma_wait3A_322] : memref<10112x64xf32, #tpu.memory_space<vmem_shared>> -> memref<128x64xf32, #tpu.memory_space<vmem_shared>>
      %dma_wait3A_324 = arith.constant 0 : i32
      %dma_wait3A_325 = arith.constant 0 : i32
      %dma_wait3A_326 = tpu.memref_slice %arg10[%dma_wait3A_324, %dma_wait3A_325] : memref<10112x64xf32, #tpu.memory_space<vmem_shared>> -> memref<128x64xf32, #tpu.memory_space<vmem_shared>>
      %dma_wait3A_327 = arith.constant 256 : i32
      %dma_wait3A_328 = arith.constant 0 : i32
      %dma_wait3A_329 = tpu.memref_slice %arg8[%dma_wait3A_327, %dma_wait3A_328] : memref<640x64xf32, #tpu.memory_space<vmem>> -> memref<128x64xf32, #tpu.memory_space<vmem>>
      tpu.wait_dma2 semaphore(%arg19 : memref<!tpu.dma_semaphore, #tpu.memory_space<semaphore_mem>>) src(%dma_wait3A_329 : memref<128x64xf32, #tpu.memory_space<vmem>>) dst(%dma_wait3A_326 : memref<128x64xf32, #tpu.memory_space<vmem_shared>>)
      %lt3A_330 = arith.constant 31 : i32
      %lt3A_331 = arith.cmpi slt, %scan3A_114, %lt3A_330 : i32
      %convert_element_type3A_332 = arith.extui %lt3A_331 : i1 to i32
      %cond3A_333 = arith.constant 0 : i32
      %cond3A_334 = arith.cmpi ne, %convert_element_type3A_332, %cond3A_333 : i32
      scf.if %cond3A_334 {
        %add3A_410 = arith.constant 5 : i32
        %add3A_411 = arith.addi %mul3A_117, %add3A_410 : i32
        %add3A_412 = arith.constant 2 : i32
        %add3A_413 = arith.addi %add3A_411, %add3A_412 : i32
        %dma_start3A_414 = arith.constant 0 : i32
        %dma_start3A_415 = arith.constant 256 : i32
        %dma_start3A_416 = arith.constant 0 : i32
        %dma_start3A_417 = tpu.memref_slice %arg8[%dma_start3A_415, %dma_start3A_416] : memref<640x64xf32, #tpu.memory_space<vmem>> -> memref<128x64xf32, #tpu.memory_space<vmem>>
        %dma_start3A_418 = arith.constant 0 : i32
        %dma_start3A_419 = tpu.memref_slice %arg7[%dma_start3A_414, %add3A_413, %dma_start3A_418] : memref<2x160x128xi32, #tpu.memory_space<vmem>> -> memref<1x1x128xi32, #tpu.memory_space<vmem>>
        %dma_start3A_420 = tpu.memref_squeeze %dma_start3A_419 : memref<1x1x128xi32, #tpu.memory_space<vmem>> -> memref<128xi32, #tpu.memory_space<vmem>>
        %dma_start3A_421 = arith.constant 0 : i32
        %dma_start3A_422 = arith.constant 0 : i32
        %dma_start3A_423 = tpu.memref_slice %arg2[%dma_start3A_421, %dma_start3A_422] : memref<20000x64xf32, #tpu.memory_space<hbm>> -> memref<20000x64xf32, #tpu.memory_space<hbm>>
        tpu.enqueue_indirect_dma source(%dma_start3A_423 : memref<20000x64xf32, #tpu.memory_space<hbm>>) target(%dma_start3A_417 : memref<128x64xf32, #tpu.memory_space<vmem>>) offsets(%dma_start3A_420 : memref<128xi32, #tpu.memory_space<vmem>>) semaphore(%arg14 : memref<!tpu.dma_semaphore, #tpu.memory_space<semaphore_mem>>)
      } else {
      }
      %dma_wait3A_335 = arith.constant 384 : i32
      %dma_wait3A_336 = arith.constant 0 : i32
      %dma_wait3A_337 = tpu.memref_slice %arg8[%dma_wait3A_335, %dma_wait3A_336] : memref<640x64xf32, #tpu.memory_space<vmem>> -> memref<128x64xf32, #tpu.memory_space<vmem>>
      %dma_wait3A_338 = arith.constant 0 : i32
      %dma_wait3A_339 = arith.constant 0 : i32
      %dma_wait3A_340 = tpu.memref_slice %arg10[%dma_wait3A_338, %dma_wait3A_339] : memref<10112x64xf32, #tpu.memory_space<vmem_shared>> -> memref<128x64xf32, #tpu.memory_space<vmem_shared>>
      %dma_wait3A_341 = arith.constant 0 : i32
      %dma_wait3A_342 = arith.constant 0 : i32
      %dma_wait3A_343 = tpu.memref_slice %arg10[%dma_wait3A_341, %dma_wait3A_342] : memref<10112x64xf32, #tpu.memory_space<vmem_shared>> -> memref<128x64xf32, #tpu.memory_space<vmem_shared>>
      %dma_wait3A_344 = arith.constant 384 : i32
      %dma_wait3A_345 = arith.constant 0 : i32
      %dma_wait3A_346 = tpu.memref_slice %arg8[%dma_wait3A_344, %dma_wait3A_345] : memref<640x64xf32, #tpu.memory_space<vmem>> -> memref<128x64xf32, #tpu.memory_space<vmem>>
      tpu.wait_dma2 semaphore(%arg20 : memref<!tpu.dma_semaphore, #tpu.memory_space<semaphore_mem>>) src(%dma_wait3A_346 : memref<128x64xf32, #tpu.memory_space<vmem>>) dst(%dma_wait3A_343 : memref<128x64xf32, #tpu.memory_space<vmem_shared>>)
      %lt3A_347 = arith.constant 31 : i32
      %lt3A_348 = arith.cmpi slt, %scan3A_114, %lt3A_347 : i32
      %convert_element_type3A_349 = arith.extui %lt3A_348 : i1 to i32
      %cond3A_350 = arith.constant 0 : i32
      %cond3A_351 = arith.cmpi ne, %convert_element_type3A_349, %cond3A_350 : i32
      scf.if %cond3A_351 {
        %add3A_410 = arith.constant 5 : i32
        %add3A_411 = arith.addi %mul3A_117, %add3A_410 : i32
        %add3A_412 = arith.constant 3 : i32
        %add3A_413 = arith.addi %add3A_411, %add3A_412 : i32
        %dma_start3A_414 = arith.constant 0 : i32
        %dma_start3A_415 = arith.constant 384 : i32
        %dma_start3A_416 = arith.constant 0 : i32
        %dma_start3A_417 = tpu.memref_slice %arg8[%dma_start3A_415, %dma_start3A_416] : memref<640x64xf32, #tpu.memory_space<vmem>> -> memref<128x64xf32, #tpu.memory_space<vmem>>
        %dma_start3A_418 = arith.constant 0 : i32
        %dma_start3A_419 = tpu.memref_slice %arg7[%dma_start3A_414, %add3A_413, %dma_start3A_418] : memref<2x160x128xi32, #tpu.memory_space<vmem>> -> memref<1x1x128xi32, #tpu.memory_space<vmem>>
        %dma_start3A_420 = tpu.memref_squeeze %dma_start3A_419 : memref<1x1x128xi32, #tpu.memory_space<vmem>> -> memref<128xi32, #tpu.memory_space<vmem>>
        %dma_start3A_421 = arith.constant 0 : i32
        %dma_start3A_422 = arith.constant 0 : i32
        %dma_start3A_423 = tpu.memref_slice %arg2[%dma_start3A_421, %dma_start3A_422] : memref<20000x64xf32, #tpu.memory_space<hbm>> -> memref<20000x64xf32, #tpu.memory_space<hbm>>
        tpu.enqueue_indirect_dma source(%dma_start3A_423 : memref<20000x64xf32, #tpu.memory_space<hbm>>) target(%dma_start3A_417 : memref<128x64xf32, #tpu.memory_space<vmem>>) offsets(%dma_start3A_420 : memref<128xi32, #tpu.memory_space<vmem>>) semaphore(%arg15 : memref<!tpu.dma_semaphore, #tpu.memory_space<semaphore_mem>>)
      } else {
      }
      %dma_wait3A_352 = arith.constant 512 : i32
      %dma_wait3A_353 = arith.constant 0 : i32
      %dma_wait3A_354 = tpu.memref_slice %arg8[%dma_wait3A_352, %dma_wait3A_353] : memref<640x64xf32, #tpu.memory_space<vmem>> -> memref<128x64xf32, #tpu.memory_space<vmem>>
      %dma_wait3A_355 = arith.constant 0 : i32
      %dma_wait3A_356 = arith.constant 0 : i32
      %dma_wait3A_357 = tpu.memref_slice %arg10[%dma_wait3A_355, %dma_wait3A_356] : memref<10112x64xf32, #tpu.memory_space<vmem_shared>> -> memref<128x64xf32, #tpu.memory_space<vmem_shared>>
      %dma_wait3A_358 = arith.constant 0 : i32
      %dma_wait3A_359 = arith.constant 0 : i32
      %dma_wait3A_360 = tpu.memref_slice %arg10[%dma_wait3A_358, %dma_wait3A_359] : memref<10112x64xf32, #tpu.memory_space<vmem_shared>> -> memref<128x64xf32, #tpu.memory_space<vmem_shared>>
      %dma_wait3A_361 = arith.constant 512 : i32
      %dma_wait3A_362 = arith.constant 0 : i32
      %dma_wait3A_363 = tpu.memref_slice %arg8[%dma_wait3A_361, %dma_wait3A_362] : memref<640x64xf32, #tpu.memory_space<vmem>> -> memref<128x64xf32, #tpu.memory_space<vmem>>
      tpu.wait_dma2 semaphore(%arg21 : memref<!tpu.dma_semaphore, #tpu.memory_space<semaphore_mem>>) src(%dma_wait3A_363 : memref<128x64xf32, #tpu.memory_space<vmem>>) dst(%dma_wait3A_360 : memref<128x64xf32, #tpu.memory_space<vmem_shared>>)
      %lt3A_364 = arith.constant 31 : i32
      %lt3A_365 = arith.cmpi slt, %scan3A_114, %lt3A_364 : i32
      %convert_element_type3A_366 = arith.extui %lt3A_365 : i1 to i32
      %cond3A_367 = arith.constant 0 : i32
      %cond3A_368 = arith.cmpi ne, %convert_element_type3A_366, %cond3A_367 : i32
      scf.if %cond3A_368 {
        %add3A_410 = arith.constant 5 : i32
        %add3A_411 = arith.addi %mul3A_117, %add3A_410 : i32
        %add3A_412 = arith.constant 4 : i32
        %add3A_413 = arith.addi %add3A_411, %add3A_412 : i32
        %dma_start3A_414 = arith.constant 0 : i32
        %dma_start3A_415 = arith.constant 512 : i32
        %dma_start3A_416 = arith.constant 0 : i32
        %dma_start3A_417 = tpu.memref_slice %arg8[%dma_start3A_415, %dma_start3A_416] : memref<640x64xf32, #tpu.memory_space<vmem>> -> memref<128x64xf32, #tpu.memory_space<vmem>>
        %dma_start3A_418 = arith.constant 0 : i32
        %dma_start3A_419 = tpu.memref_slice %arg7[%dma_start3A_414, %add3A_413, %dma_start3A_418] : memref<2x160x128xi32, #tpu.memory_space<vmem>> -> memref<1x1x128xi32, #tpu.memory_space<vmem>>
        %dma_start3A_420 = tpu.memref_squeeze %dma_start3A_419 : memref<1x1x128xi32, #tpu.memory_space<vmem>> -> memref<128xi32, #tpu.memory_space<vmem>>
        %dma_start3A_421 = arith.constant 0 : i32
        %dma_start3A_422 = arith.constant 0 : i32
        %dma_start3A_423 = tpu.memref_slice %arg2[%dma_start3A_421, %dma_start3A_422] : memref<20000x64xf32, #tpu.memory_space<hbm>> -> memref<20000x64xf32, #tpu.memory_space<hbm>>
        tpu.enqueue_indirect_dma source(%dma_start3A_423 : memref<20000x64xf32, #tpu.memory_space<hbm>>) target(%dma_start3A_417 : memref<128x64xf32, #tpu.memory_space<vmem>>) offsets(%dma_start3A_420 : memref<128xi32, #tpu.memory_space<vmem>>) semaphore(%arg16 : memref<!tpu.dma_semaphore, #tpu.memory_space<semaphore_mem>>)
      } else {
      }
      %dma_wait3A_369 = arith.constant 640 : i32
      %dma_wait3A_370 = tpu.memref_slice %arg9[%dma_wait3A_369] : memref<768xf32, #tpu.memory_space<vmem>> -> memref<128xf32, #tpu.memory_space<vmem>>
      %dma_wait3A_371 = arith.constant 0 : i32
      %dma_wait3A_372 = tpu.memref_slice %arg11[%dma_wait3A_371] : memref<10112xf32, #tpu.memory_space<vmem_shared>> -> memref<128xf32, #tpu.memory_space<vmem_shared>>
      %dma_wait3A_373 = arith.constant 0 : i32
      %dma_wait3A_374 = tpu.memref_slice %arg11[%dma_wait3A_373] : memref<10112xf32, #tpu.memory_space<vmem_shared>> -> memref<128xf32, #tpu.memory_space<vmem_shared>>
      %dma_wait3A_375 = arith.constant 640 : i32
      %dma_wait3A_376 = tpu.memref_slice %arg9[%dma_wait3A_375] : memref<768xf32, #tpu.memory_space<vmem>> -> memref<128xf32, #tpu.memory_space<vmem>>
      tpu.wait_dma2 semaphore(%arg22 : memref<!tpu.dma_semaphore, #tpu.memory_space<semaphore_mem>>) src(%dma_wait3A_376 : memref<128xf32, #tpu.memory_space<vmem>>) dst(%dma_wait3A_374 : memref<128xf32, #tpu.memory_space<vmem_shared>>)
      %dma_wait3A_377 = arith.constant 640 : i32
      %dma_wait3A_378 = tpu.memref_slice %arg9[%dma_wait3A_377] : memref<768xf32, #tpu.memory_space<vmem>> -> memref<128xf32, #tpu.memory_space<vmem>>
      %dma_wait3A_379 = arith.constant 0 : i32
      %dma_wait3A_380 = tpu.memref_slice %arg11[%dma_wait3A_379] : memref<10112xf32, #tpu.memory_space<vmem_shared>> -> memref<128xf32, #tpu.memory_space<vmem_shared>>
      %dma_wait3A_381 = arith.constant 0 : i32
      %dma_wait3A_382 = tpu.memref_slice %arg11[%dma_wait3A_381] : memref<10112xf32, #tpu.memory_space<vmem_shared>> -> memref<128xf32, #tpu.memory_space<vmem_shared>>
      %dma_wait3A_383 = arith.constant 640 : i32
      %dma_wait3A_384 = tpu.memref_slice %arg9[%dma_wait3A_383] : memref<768xf32, #tpu.memory_space<vmem>> -> memref<128xf32, #tpu.memory_space<vmem>>
      tpu.wait_dma2 semaphore(%arg22 : memref<!tpu.dma_semaphore, #tpu.memory_space<semaphore_mem>>) src(%dma_wait3A_384 : memref<128xf32, #tpu.memory_space<vmem>>) dst(%dma_wait3A_382 : memref<128xf32, #tpu.memory_space<vmem_shared>>)
      %dma_wait3A_385 = arith.constant 640 : i32
      %dma_wait3A_386 = tpu.memref_slice %arg9[%dma_wait3A_385] : memref<768xf32, #tpu.memory_space<vmem>> -> memref<128xf32, #tpu.memory_space<vmem>>
      %dma_wait3A_387 = arith.constant 0 : i32
      %dma_wait3A_388 = tpu.memref_slice %arg11[%dma_wait3A_387] : memref<10112xf32, #tpu.memory_space<vmem_shared>> -> memref<128xf32, #tpu.memory_space<vmem_shared>>
      %dma_wait3A_389 = arith.constant 0 : i32
      %dma_wait3A_390 = tpu.memref_slice %arg11[%dma_wait3A_389] : memref<10112xf32, #tpu.memory_space<vmem_shared>> -> memref<128xf32, #tpu.memory_space<vmem_shared>>
      %dma_wait3A_391 = arith.constant 640 : i32
      %dma_wait3A_392 = tpu.memref_slice %arg9[%dma_wait3A_391] : memref<768xf32, #tpu.memory_space<vmem>> -> memref<128xf32, #tpu.memory_space<vmem>>
      tpu.wait_dma2 semaphore(%arg22 : memref<!tpu.dma_semaphore, #tpu.memory_space<semaphore_mem>>) src(%dma_wait3A_392 : memref<128xf32, #tpu.memory_space<vmem>>) dst(%dma_wait3A_390 : memref<128xf32, #tpu.memory_space<vmem_shared>>)
      %dma_wait3A_393 = arith.constant 640 : i32
      %dma_wait3A_394 = tpu.memref_slice %arg9[%dma_wait3A_393] : memref<768xf32, #tpu.memory_space<vmem>> -> memref<128xf32, #tpu.memory_space<vmem>>
      %dma_wait3A_395 = arith.constant 0 : i32
      %dma_wait3A_396 = tpu.memref_slice %arg11[%dma_wait3A_395] : memref<10112xf32, #tpu.memory_space<vmem_shared>> -> memref<128xf32, #tpu.memory_space<vmem_shared>>
      %dma_wait3A_397 = arith.constant 0 : i32
      %dma_wait3A_398 = tpu.memref_slice %arg11[%dma_wait3A_397] : memref<10112xf32, #tpu.memory_space<vmem_shared>> -> memref<128xf32, #tpu.memory_space<vmem_shared>>
      %dma_wait3A_399 = arith.constant 640 : i32
      %dma_wait3A_400 = tpu.memref_slice %arg9[%dma_wait3A_399] : memref<768xf32, #tpu.memory_space<vmem>> -> memref<128xf32, #tpu.memory_space<vmem>>
      tpu.wait_dma2 semaphore(%arg22 : memref<!tpu.dma_semaphore, #tpu.memory_space<semaphore_mem>>) src(%dma_wait3A_400 : memref<128xf32, #tpu.memory_space<vmem>>) dst(%dma_wait3A_398 : memref<128xf32, #tpu.memory_space<vmem_shared>>)
      %dma_wait3A_401 = arith.constant 640 : i32
      %dma_wait3A_402 = tpu.memref_slice %arg9[%dma_wait3A_401] : memref<768xf32, #tpu.memory_space<vmem>> -> memref<128xf32, #tpu.memory_space<vmem>>
      %dma_wait3A_403 = arith.constant 0 : i32
      %dma_wait3A_404 = tpu.memref_slice %arg11[%dma_wait3A_403] : memref<10112xf32, #tpu.memory_space<vmem_shared>> -> memref<128xf32, #tpu.memory_space<vmem_shared>>
      %dma_wait3A_405 = arith.constant 0 : i32
      %dma_wait3A_406 = tpu.memref_slice %arg11[%dma_wait3A_405] : memref<10112xf32, #tpu.memory_space<vmem_shared>> -> memref<128xf32, #tpu.memory_space<vmem_shared>>
      %dma_wait3A_407 = arith.constant 640 : i32
      %dma_wait3A_408 = tpu.memref_slice %arg9[%dma_wait3A_407] : memref<768xf32, #tpu.memory_space<vmem>> -> memref<128xf32, #tpu.memory_space<vmem>>
      tpu.wait_dma2 semaphore(%arg22 : memref<!tpu.dma_semaphore, #tpu.memory_space<semaphore_mem>>) src(%dma_wait3A_408 : memref<128xf32, #tpu.memory_space<vmem>>) dst(%dma_wait3A_406 : memref<128xf32, #tpu.memory_space<vmem_shared>>)
      %scan3A_409 = arith.constant 0 : i32
      scf.yield %scan3A_409 : i32
    }
    %scan3A_92 = arith.constant 32 : i32
    %barrier3A_93 = arith.constant 0 : index
    tpu.barrier barrier_id(%barrier3A_93)
    %add3A_94 = arith.constant 0 : i32
    %add3A_95 = arith.addi %mul3A_0, %add3A_94 : i32
    "tpu.region"() ({
      %run_scoped3A_114 = tpu.sem_alloc : memref<!tpu.dma_semaphore, #tpu.memory_space<semaphore_mem>>
      %dma_start3A_115 = arith.constant 0 : i32
      %dma_start3A_116 = arith.constant 0 : i32
      %dma_start3A_117 = tpu.memref_slice %arg8[%dma_start3A_115, %dma_start3A_116] : memref<640x64xf32, #tpu.memory_space<vmem>> -> memref<128x64xf32, #tpu.memory_space<vmem>>
      %dma_start3A_118 = arith.constant 0 : i32
      %dma_start3A_119 = tpu.memref_slice %arg10[%add3A_95, %dma_start3A_118] : memref<10112x64xf32, #tpu.memory_space<vmem_shared>> -> memref<128x64xf32, #tpu.memory_space<vmem_shared>>
      %dma_start3A_120 = arith.constant 0 : i32
      %dma_start3A_121 = arith.constant 0 : i32
      %dma_start3A_122 = tpu.memref_slice %arg8[%dma_start3A_120, %dma_start3A_121] : memref<640x64xf32, #tpu.memory_space<vmem>> -> memref<128x64xf32, #tpu.memory_space<vmem>>
      %dma_start3A_123 = arith.constant 0 : i32
      %dma_start3A_124 = tpu.memref_slice %arg10[%add3A_95, %dma_start3A_123] : memref<10112x64xf32, #tpu.memory_space<vmem_shared>> -> memref<128x64xf32, #tpu.memory_space<vmem_shared>>
      tpu.enqueue_dma source(%dma_start3A_124 : memref<128x64xf32, #tpu.memory_space<vmem_shared>>) target(%dma_start3A_122 : memref<128x64xf32, #tpu.memory_space<vmem>>) target_semaphore(%run_scoped3A_114 : memref<!tpu.dma_semaphore, #tpu.memory_space<semaphore_mem>>)
      %dma_wait3A = arith.constant 0 : i32
      %dma_wait3A_125 = arith.constant 0 : i32
      %dma_wait3A_126 = tpu.memref_slice %arg8[%dma_wait3A, %dma_wait3A_125] : memref<640x64xf32, #tpu.memory_space<vmem>> -> memref<128x64xf32, #tpu.memory_space<vmem>>
      %dma_wait3A_127 = arith.constant 0 : i32
      %dma_wait3A_128 = tpu.memref_slice %arg10[%add3A_95, %dma_wait3A_127] : memref<10112x64xf32, #tpu.memory_space<vmem_shared>> -> memref<128x64xf32, #tpu.memory_space<vmem_shared>>
      %dma_wait3A_129 = arith.constant 0 : i32
      %dma_wait3A_130 = arith.constant 0 : i32
      %dma_wait3A_131 = tpu.memref_slice %arg8[%dma_wait3A_129, %dma_wait3A_130] : memref<640x64xf32, #tpu.memory_space<vmem>> -> memref<128x64xf32, #tpu.memory_space<vmem>>
      %dma_wait3A_132 = arith.constant 0 : i32
      %dma_wait3A_133 = tpu.memref_slice %arg10[%add3A_95, %dma_wait3A_132] : memref<10112x64xf32, #tpu.memory_space<vmem_shared>> -> memref<128x64xf32, #tpu.memory_space<vmem_shared>>
      tpu.wait_dma2 semaphore(%run_scoped3A_114 : memref<!tpu.dma_semaphore, #tpu.memory_space<semaphore_mem>>) src(%dma_wait3A_133 : memref<128x64xf32, #tpu.memory_space<vmem_shared>>) dst(%dma_wait3A_131 : memref<128x64xf32, #tpu.memory_space<vmem>>)
      tpu.yield
    }) : () -> ()
    %add3A_96 = arith.constant 0 : i32
    %add3A_97 = arith.addi %mul3A_0, %add3A_96 : i32
    "tpu.region"() ({
      %run_scoped3A_114 = tpu.sem_alloc : memref<!tpu.dma_semaphore, #tpu.memory_space<semaphore_mem>>
      %dma_start3A_115 = arith.constant 0 : i32
      %dma_start3A_116 = arith.constant 0 : i32
      %dma_start3A_117 = tpu.memref_slice %arg8[%dma_start3A_115, %dma_start3A_116] : memref<640x64xf32, #tpu.memory_space<vmem>> -> memref<128x64xf32, #tpu.memory_space<vmem>>
      %dma_start3A_118 = arith.constant 0 : i32
      %dma_start3A_119 = tpu.memref_slice %arg5[%arg0, %add3A_97, %dma_start3A_118] : memref<2x10112x64xf32, #tpu.memory_space<hbm>> -> memref<1x128x64xf32, #tpu.memory_space<hbm>>
      %dma_start3A_120 = tpu.memref_squeeze %dma_start3A_119 : memref<1x128x64xf32, #tpu.memory_space<hbm>> -> memref<128x64xf32, #tpu.memory_space<hbm>>
      %dma_start3A_121 = arith.constant 0 : i32
      %dma_start3A_122 = tpu.memref_slice %arg5[%arg0, %add3A_97, %dma_start3A_121] : memref<2x10112x64xf32, #tpu.memory_space<hbm>> -> memref<1x128x64xf32, #tpu.memory_space<hbm>>
      %dma_start3A_123 = tpu.memref_squeeze %dma_start3A_122 : memref<1x128x64xf32, #tpu.memory_space<hbm>> -> memref<128x64xf32, #tpu.memory_space<hbm>>
      %dma_start3A_124 = arith.constant 0 : i32
      %dma_start3A_125 = arith.constant 0 : i32
      %dma_start3A_126 = tpu.memref_slice %arg8[%dma_start3A_124, %dma_start3A_125] : memref<640x64xf32, #tpu.memory_space<vmem>> -> memref<128x64xf32, #tpu.memory_space<vmem>>
      tpu.enqueue_dma source(%dma_start3A_126 : memref<128x64xf32, #tpu.memory_space<vmem>>) target(%dma_start3A_123 : memref<128x64xf32, #tpu.memory_space<hbm>>) target_semaphore(%run_scoped3A_114 : memref<!tpu.dma_semaphore, #tpu.memory_space<semaphore_mem>>)
      %dma_wait3A = arith.constant 0 : i32
      %dma_wait3A_127 = arith.constant 0 : i32
      %dma_wait3A_128 = tpu.memref_slice %arg8[%dma_wait3A, %dma_wait3A_127] : memref<640x64xf32, #tpu.memory_space<vmem>> -> memref<128x64xf32, #tpu.memory_space<vmem>>
      %dma_wait3A_129 = arith.constant 0 : i32
      %dma_wait3A_130 = tpu.memref_slice %arg5[%arg0, %add3A_97, %dma_wait3A_129] : memref<2x10112x64xf32, #tpu.memory_space<hbm>> -> memref<1x128x64xf32, #tpu.memory_space<hbm>>
      %dma_wait3A_131 = tpu.memref_squeeze %dma_wait3A_130 : memref<1x128x64xf32, #tpu.memory_space<hbm>> -> memref<128x64xf32, #tpu.memory_space<hbm>>
      %dma_wait3A_132 = arith.constant 0 : i32
      %dma_wait3A_133 = tpu.memref_slice %arg5[%arg0, %add3A_97, %dma_wait3A_132] : memref<2x10112x64xf32, #tpu.memory_space<hbm>> -> memref<1x128x64xf32, #tpu.memory_space<hbm>>
      %dma_wait3A_134 = tpu.memref_squeeze %dma_wait3A_133 : memref<1x128x64xf32, #tpu.memory_space<hbm>> -> memref<128x64xf32, #tpu.memory_space<hbm>>
      %dma_wait3A_135 = arith.constant 0 : i32
      %dma_wait3A_136 = arith.constant 0 : i32
      %dma_wait3A_137 = tpu.memref_slice %arg8[%dma_wait3A_135, %dma_wait3A_136] : memref<640x64xf32, #tpu.memory_space<vmem>> -> memref<128x64xf32, #tpu.memory_space<vmem>>
      tpu.wait_dma2 semaphore(%run_scoped3A_114 : memref<!tpu.dma_semaphore, #tpu.memory_space<semaphore_mem>>) src(%dma_wait3A_137 : memref<128x64xf32, #tpu.memory_space<vmem>>) dst(%dma_wait3A_134 : memref<128x64xf32, #tpu.memory_space<hbm>>)
      tpu.yield
    }) : () -> ()
    %add3A_98 = arith.constant 128 : i32
    %add3A_99 = arith.addi %mul3A_0, %add3A_98 : i32
    "tpu.region"() ({
      %run_scoped3A_114 = tpu.sem_alloc : memref<!tpu.dma_semaphore, #tpu.memory_space<semaphore_mem>>
      %dma_start3A_115 = arith.constant 0 : i32
      %dma_start3A_116 = arith.constant 0 : i32
      %dma_start3A_117 = tpu.memref_slice %arg8[%dma_start3A_115, %dma_start3A_116] : memref<640x64xf32, #tpu.memory_space<vmem>> -> memref<128x64xf32, #tpu.memory_space<vmem>>
      %dma_start3A_118 = arith.constant 0 : i32
      %dma_start3A_119 = tpu.memref_slice %arg10[%add3A_99, %dma_start3A_118] : memref<10112x64xf32, #tpu.memory_space<vmem_shared>> -> memref<128x64xf32, #tpu.memory_space<vmem_shared>>
      %dma_start3A_120 = arith.constant 0 : i32
      %dma_start3A_121 = arith.constant 0 : i32
      %dma_start3A_122 = tpu.memref_slice %arg8[%dma_start3A_120, %dma_start3A_121] : memref<640x64xf32, #tpu.memory_space<vmem>> -> memref<128x64xf32, #tpu.memory_space<vmem>>
      %dma_start3A_123 = arith.constant 0 : i32
      %dma_start3A_124 = tpu.memref_slice %arg10[%add3A_99, %dma_start3A_123] : memref<10112x64xf32, #tpu.memory_space<vmem_shared>> -> memref<128x64xf32, #tpu.memory_space<vmem_shared>>
      tpu.enqueue_dma source(%dma_start3A_124 : memref<128x64xf32, #tpu.memory_space<vmem_shared>>) target(%dma_start3A_122 : memref<128x64xf32, #tpu.memory_space<vmem>>) target_semaphore(%run_scoped3A_114 : memref<!tpu.dma_semaphore, #tpu.memory_space<semaphore_mem>>)
      %dma_wait3A = arith.constant 0 : i32
      %dma_wait3A_125 = arith.constant 0 : i32
      %dma_wait3A_126 = tpu.memref_slice %arg8[%dma_wait3A, %dma_wait3A_125] : memref<640x64xf32, #tpu.memory_space<vmem>> -> memref<128x64xf32, #tpu.memory_space<vmem>>
      %dma_wait3A_127 = arith.constant 0 : i32
      %dma_wait3A_128 = tpu.memref_slice %arg10[%add3A_99, %dma_wait3A_127] : memref<10112x64xf32, #tpu.memory_space<vmem_shared>> -> memref<128x64xf32, #tpu.memory_space<vmem_shared>>
      %dma_wait3A_129 = arith.constant 0 : i32
      %dma_wait3A_130 = arith.constant 0 : i32
      %dma_wait3A_131 = tpu.memref_slice %arg8[%dma_wait3A_129, %dma_wait3A_130] : memref<640x64xf32, #tpu.memory_space<vmem>> -> memref<128x64xf32, #tpu.memory_space<vmem>>
      %dma_wait3A_132 = arith.constant 0 : i32
      %dma_wait3A_133 = tpu.memref_slice %arg10[%add3A_99, %dma_wait3A_132] : memref<10112x64xf32, #tpu.memory_space<vmem_shared>> -> memref<128x64xf32, #tpu.memory_space<vmem_shared>>
      tpu.wait_dma2 semaphore(%run_scoped3A_114 : memref<!tpu.dma_semaphore, #tpu.memory_space<semaphore_mem>>) src(%dma_wait3A_133 : memref<128x64xf32, #tpu.memory_space<vmem_shared>>) dst(%dma_wait3A_131 : memref<128x64xf32, #tpu.memory_space<vmem>>)
      tpu.yield
    }) : () -> ()
    %add3A_100 = arith.constant 128 : i32
    %add3A_101 = arith.addi %mul3A_0, %add3A_100 : i32
    "tpu.region"() ({
      %run_scoped3A_114 = tpu.sem_alloc : memref<!tpu.dma_semaphore, #tpu.memory_space<semaphore_mem>>
      %dma_start3A_115 = arith.constant 0 : i32
      %dma_start3A_116 = arith.constant 0 : i32
      %dma_start3A_117 = tpu.memref_slice %arg8[%dma_start3A_115, %dma_start3A_116] : memref<640x64xf32, #tpu.memory_space<vmem>> -> memref<128x64xf32, #tpu.memory_space<vmem>>
      %dma_start3A_118 = arith.constant 0 : i32
      %dma_start3A_119 = tpu.memref_slice %arg5[%arg0, %add3A_101, %dma_start3A_118] : memref<2x10112x64xf32, #tpu.memory_space<hbm>> -> memref<1x128x64xf32, #tpu.memory_space<hbm>>
      %dma_start3A_120 = tpu.memref_squeeze %dma_start3A_119 : memref<1x128x64xf32, #tpu.memory_space<hbm>> -> memref<128x64xf32, #tpu.memory_space<hbm>>
      %dma_start3A_121 = arith.constant 0 : i32
      %dma_start3A_122 = tpu.memref_slice %arg5[%arg0, %add3A_101, %dma_start3A_121] : memref<2x10112x64xf32, #tpu.memory_space<hbm>> -> memref<1x128x64xf32, #tpu.memory_space<hbm>>
      %dma_start3A_123 = tpu.memref_squeeze %dma_start3A_122 : memref<1x128x64xf32, #tpu.memory_space<hbm>> -> memref<128x64xf32, #tpu.memory_space<hbm>>
      %dma_start3A_124 = arith.constant 0 : i32
      %dma_start3A_125 = arith.constant 0 : i32
      %dma_start3A_126 = tpu.memref_slice %arg8[%dma_start3A_124, %dma_start3A_125] : memref<640x64xf32, #tpu.memory_space<vmem>> -> memref<128x64xf32, #tpu.memory_space<vmem>>
      tpu.enqueue_dma source(%dma_start3A_126 : memref<128x64xf32, #tpu.memory_space<vmem>>) target(%dma_start3A_123 : memref<128x64xf32, #tpu.memory_space<hbm>>) target_semaphore(%run_scoped3A_114 : memref<!tpu.dma_semaphore, #tpu.memory_space<semaphore_mem>>)
      %dma_wait3A = arith.constant 0 : i32
      %dma_wait3A_127 = arith.constant 0 : i32
      %dma_wait3A_128 = tpu.memref_slice %arg8[%dma_wait3A, %dma_wait3A_127] : memref<640x64xf32, #tpu.memory_space<vmem>> -> memref<128x64xf32, #tpu.memory_space<vmem>>
      %dma_wait3A_129 = arith.constant 0 : i32
      %dma_wait3A_130 = tpu.memref_slice %arg5[%arg0, %add3A_101, %dma_wait3A_129] : memref<2x10112x64xf32, #tpu.memory_space<hbm>> -> memref<1x128x64xf32, #tpu.memory_space<hbm>>
      %dma_wait3A_131 = tpu.memref_squeeze %dma_wait3A_130 : memref<1x128x64xf32, #tpu.memory_space<hbm>> -> memref<128x64xf32, #tpu.memory_space<hbm>>
      %dma_wait3A_132 = arith.constant 0 : i32
      %dma_wait3A_133 = tpu.memref_slice %arg5[%arg0, %add3A_101, %dma_wait3A_132] : memref<2x10112x64xf32, #tpu.memory_space<hbm>> -> memref<1x128x64xf32, #tpu.memory_space<hbm>>
      %dma_wait3A_134 = tpu.memref_squeeze %dma_wait3A_133 : memref<1x128x64xf32, #tpu.memory_space<hbm>> -> memref<128x64xf32, #tpu.memory_space<hbm>>
      %dma_wait3A_135 = arith.constant 0 : i32
      %dma_wait3A_136 = arith.constant 0 : i32
      %dma_wait3A_137 = tpu.memref_slice %arg8[%dma_wait3A_135, %dma_wait3A_136] : memref<640x64xf32, #tpu.memory_space<vmem>> -> memref<128x64xf32, #tpu.memory_space<vmem>>
      tpu.wait_dma2 semaphore(%run_scoped3A_114 : memref<!tpu.dma_semaphore, #tpu.memory_space<semaphore_mem>>) src(%dma_wait3A_137 : memref<128x64xf32, #tpu.memory_space<vmem>>) dst(%dma_wait3A_134 : memref<128x64xf32, #tpu.memory_space<hbm>>)
      tpu.yield
    }) : () -> ()
    %add3A_102 = arith.constant 256 : i32
    %add3A_103 = arith.addi %mul3A_0, %add3A_102 : i32
    "tpu.region"() ({
      %run_scoped3A_114 = tpu.sem_alloc : memref<!tpu.dma_semaphore, #tpu.memory_space<semaphore_mem>>
      %dma_start3A_115 = arith.constant 0 : i32
      %dma_start3A_116 = arith.constant 0 : i32
      %dma_start3A_117 = tpu.memref_slice %arg8[%dma_start3A_115, %dma_start3A_116] : memref<640x64xf32, #tpu.memory_space<vmem>> -> memref<128x64xf32, #tpu.memory_space<vmem>>
      %dma_start3A_118 = arith.constant 0 : i32
      %dma_start3A_119 = tpu.memref_slice %arg10[%add3A_103, %dma_start3A_118] : memref<10112x64xf32, #tpu.memory_space<vmem_shared>> -> memref<128x64xf32, #tpu.memory_space<vmem_shared>>
      %dma_start3A_120 = arith.constant 0 : i32
      %dma_start3A_121 = arith.constant 0 : i32
      %dma_start3A_122 = tpu.memref_slice %arg8[%dma_start3A_120, %dma_start3A_121] : memref<640x64xf32, #tpu.memory_space<vmem>> -> memref<128x64xf32, #tpu.memory_space<vmem>>
      %dma_start3A_123 = arith.constant 0 : i32
      %dma_start3A_124 = tpu.memref_slice %arg10[%add3A_103, %dma_start3A_123] : memref<10112x64xf32, #tpu.memory_space<vmem_shared>> -> memref<128x64xf32, #tpu.memory_space<vmem_shared>>
      tpu.enqueue_dma source(%dma_start3A_124 : memref<128x64xf32, #tpu.memory_space<vmem_shared>>) target(%dma_start3A_122 : memref<128x64xf32, #tpu.memory_space<vmem>>) target_semaphore(%run_scoped3A_114 : memref<!tpu.dma_semaphore, #tpu.memory_space<semaphore_mem>>)
      %dma_wait3A = arith.constant 0 : i32
      %dma_wait3A_125 = arith.constant 0 : i32
      %dma_wait3A_126 = tpu.memref_slice %arg8[%dma_wait3A, %dma_wait3A_125] : memref<640x64xf32, #tpu.memory_space<vmem>> -> memref<128x64xf32, #tpu.memory_space<vmem>>
      %dma_wait3A_127 = arith.constant 0 : i32
      %dma_wait3A_128 = tpu.memref_slice %arg10[%add3A_103, %dma_wait3A_127] : memref<10112x64xf32, #tpu.memory_space<vmem_shared>> -> memref<128x64xf32, #tpu.memory_space<vmem_shared>>
      %dma_wait3A_129 = arith.constant 0 : i32
      %dma_wait3A_130 = arith.constant 0 : i32
      %dma_wait3A_131 = tpu.memref_slice %arg8[%dma_wait3A_129, %dma_wait3A_130] : memref<640x64xf32, #tpu.memory_space<vmem>> -> memref<128x64xf32, #tpu.memory_space<vmem>>
      %dma_wait3A_132 = arith.constant 0 : i32
      %dma_wait3A_133 = tpu.memref_slice %arg10[%add3A_103, %dma_wait3A_132] : memref<10112x64xf32, #tpu.memory_space<vmem_shared>> -> memref<128x64xf32, #tpu.memory_space<vmem_shared>>
      tpu.wait_dma2 semaphore(%run_scoped3A_114 : memref<!tpu.dma_semaphore, #tpu.memory_space<semaphore_mem>>) src(%dma_wait3A_133 : memref<128x64xf32, #tpu.memory_space<vmem_shared>>) dst(%dma_wait3A_131 : memref<128x64xf32, #tpu.memory_space<vmem>>)
      tpu.yield
    }) : () -> ()
    %add3A_104 = arith.constant 256 : i32
    %add3A_105 = arith.addi %mul3A_0, %add3A_104 : i32
    "tpu.region"() ({
      %run_scoped3A_114 = tpu.sem_alloc : memref<!tpu.dma_semaphore, #tpu.memory_space<semaphore_mem>>
      %dma_start3A_115 = arith.constant 0 : i32
      %dma_start3A_116 = arith.constant 0 : i32
      %dma_start3A_117 = tpu.memref_slice %arg8[%dma_start3A_115, %dma_start3A_116] : memref<640x64xf32, #tpu.memory_space<vmem>> -> memref<128x64xf32, #tpu.memory_space<vmem>>
      %dma_start3A_118 = arith.constant 0 : i32
      %dma_start3A_119 = tpu.memref_slice %arg5[%arg0, %add3A_105, %dma_start3A_118] : memref<2x10112x64xf32, #tpu.memory_space<hbm>> -> memref<1x128x64xf32, #tpu.memory_space<hbm>>
      %dma_start3A_120 = tpu.memref_squeeze %dma_start3A_119 : memref<1x128x64xf32, #tpu.memory_space<hbm>> -> memref<128x64xf32, #tpu.memory_space<hbm>>
      %dma_start3A_121 = arith.constant 0 : i32
      %dma_start3A_122 = tpu.memref_slice %arg5[%arg0, %add3A_105, %dma_start3A_121] : memref<2x10112x64xf32, #tpu.memory_space<hbm>> -> memref<1x128x64xf32, #tpu.memory_space<hbm>>
      %dma_start3A_123 = tpu.memref_squeeze %dma_start3A_122 : memref<1x128x64xf32, #tpu.memory_space<hbm>> -> memref<128x64xf32, #tpu.memory_space<hbm>>
      %dma_start3A_124 = arith.constant 0 : i32
      %dma_start3A_125 = arith.constant 0 : i32
      %dma_start3A_126 = tpu.memref_slice %arg8[%dma_start3A_124, %dma_start3A_125] : memref<640x64xf32, #tpu.memory_space<vmem>> -> memref<128x64xf32, #tpu.memory_space<vmem>>
      tpu.enqueue_dma source(%dma_start3A_126 : memref<128x64xf32, #tpu.memory_space<vmem>>) target(%dma_start3A_123 : memref<128x64xf32, #tpu.memory_space<hbm>>) target_semaphore(%run_scoped3A_114 : memref<!tpu.dma_semaphore, #tpu.memory_space<semaphore_mem>>)
      %dma_wait3A = arith.constant 0 : i32
      %dma_wait3A_127 = arith.constant 0 : i32
      %dma_wait3A_128 = tpu.memref_slice %arg8[%dma_wait3A, %dma_wait3A_127] : memref<640x64xf32, #tpu.memory_space<vmem>> -> memref<128x64xf32, #tpu.memory_space<vmem>>
      %dma_wait3A_129 = arith.constant 0 : i32
      %dma_wait3A_130 = tpu.memref_slice %arg5[%arg0, %add3A_105, %dma_wait3A_129] : memref<2x10112x64xf32, #tpu.memory_space<hbm>> -> memref<1x128x64xf32, #tpu.memory_space<hbm>>
      %dma_wait3A_131 = tpu.memref_squeeze %dma_wait3A_130 : memref<1x128x64xf32, #tpu.memory_space<hbm>> -> memref<128x64xf32, #tpu.memory_space<hbm>>
      %dma_wait3A_132 = arith.constant 0 : i32
      %dma_wait3A_133 = tpu.memref_slice %arg5[%arg0, %add3A_105, %dma_wait3A_132] : memref<2x10112x64xf32, #tpu.memory_space<hbm>> -> memref<1x128x64xf32, #tpu.memory_space<hbm>>
      %dma_wait3A_134 = tpu.memref_squeeze %dma_wait3A_133 : memref<1x128x64xf32, #tpu.memory_space<hbm>> -> memref<128x64xf32, #tpu.memory_space<hbm>>
      %dma_wait3A_135 = arith.constant 0 : i32
      %dma_wait3A_136 = arith.constant 0 : i32
      %dma_wait3A_137 = tpu.memref_slice %arg8[%dma_wait3A_135, %dma_wait3A_136] : memref<640x64xf32, #tpu.memory_space<vmem>> -> memref<128x64xf32, #tpu.memory_space<vmem>>
      tpu.wait_dma2 semaphore(%run_scoped3A_114 : memref<!tpu.dma_semaphore, #tpu.memory_space<semaphore_mem>>) src(%dma_wait3A_137 : memref<128x64xf32, #tpu.memory_space<vmem>>) dst(%dma_wait3A_134 : memref<128x64xf32, #tpu.memory_space<hbm>>)
      tpu.yield
    }) : () -> ()
    %add3A_106 = arith.constant 384 : i32
    %add3A_107 = arith.addi %mul3A_0, %add3A_106 : i32
    "tpu.region"() ({
      %run_scoped3A_114 = tpu.sem_alloc : memref<!tpu.dma_semaphore, #tpu.memory_space<semaphore_mem>>
      %dma_start3A_115 = arith.constant 0 : i32
      %dma_start3A_116 = arith.constant 0 : i32
      %dma_start3A_117 = tpu.memref_slice %arg8[%dma_start3A_115, %dma_start3A_116] : memref<640x64xf32, #tpu.memory_space<vmem>> -> memref<128x64xf32, #tpu.memory_space<vmem>>
      %dma_start3A_118 = arith.constant 0 : i32
      %dma_start3A_119 = tpu.memref_slice %arg10[%add3A_107, %dma_start3A_118] : memref<10112x64xf32, #tpu.memory_space<vmem_shared>> -> memref<128x64xf32, #tpu.memory_space<vmem_shared>>
      %dma_start3A_120 = arith.constant 0 : i32
      %dma_start3A_121 = arith.constant 0 : i32
      %dma_start3A_122 = tpu.memref_slice %arg8[%dma_start3A_120, %dma_start3A_121] : memref<640x64xf32, #tpu.memory_space<vmem>> -> memref<128x64xf32, #tpu.memory_space<vmem>>
      %dma_start3A_123 = arith.constant 0 : i32
      %dma_start3A_124 = tpu.memref_slice %arg10[%add3A_107, %dma_start3A_123] : memref<10112x64xf32, #tpu.memory_space<vmem_shared>> -> memref<128x64xf32, #tpu.memory_space<vmem_shared>>
      tpu.enqueue_dma source(%dma_start3A_124 : memref<128x64xf32, #tpu.memory_space<vmem_shared>>) target(%dma_start3A_122 : memref<128x64xf32, #tpu.memory_space<vmem>>) target_semaphore(%run_scoped3A_114 : memref<!tpu.dma_semaphore, #tpu.memory_space<semaphore_mem>>)
      %dma_wait3A = arith.constant 0 : i32
      %dma_wait3A_125 = arith.constant 0 : i32
      %dma_wait3A_126 = tpu.memref_slice %arg8[%dma_wait3A, %dma_wait3A_125] : memref<640x64xf32, #tpu.memory_space<vmem>> -> memref<128x64xf32, #tpu.memory_space<vmem>>
      %dma_wait3A_127 = arith.constant 0 : i32
      %dma_wait3A_128 = tpu.memref_slice %arg10[%add3A_107, %dma_wait3A_127] : memref<10112x64xf32, #tpu.memory_space<vmem_shared>> -> memref<128x64xf32, #tpu.memory_space<vmem_shared>>
      %dma_wait3A_129 = arith.constant 0 : i32
      %dma_wait3A_130 = arith.constant 0 : i32
      %dma_wait3A_131 = tpu.memref_slice %arg8[%dma_wait3A_129, %dma_wait3A_130] : memref<640x64xf32, #tpu.memory_space<vmem>> -> memref<128x64xf32, #tpu.memory_space<vmem>>
      %dma_wait3A_132 = arith.constant 0 : i32
      %dma_wait3A_133 = tpu.memref_slice %arg10[%add3A_107, %dma_wait3A_132] : memref<10112x64xf32, #tpu.memory_space<vmem_shared>> -> memref<128x64xf32, #tpu.memory_space<vmem_shared>>
      tpu.wait_dma2 semaphore(%run_scoped3A_114 : memref<!tpu.dma_semaphore, #tpu.memory_space<semaphore_mem>>) src(%dma_wait3A_133 : memref<128x64xf32, #tpu.memory_space<vmem_shared>>) dst(%dma_wait3A_131 : memref<128x64xf32, #tpu.memory_space<vmem>>)
      tpu.yield
    }) : () -> ()
    %add3A_108 = arith.constant 384 : i32
    %add3A_109 = arith.addi %mul3A_0, %add3A_108 : i32
    "tpu.region"() ({
      %run_scoped3A_114 = tpu.sem_alloc : memref<!tpu.dma_semaphore, #tpu.memory_space<semaphore_mem>>
      %dma_start3A_115 = arith.constant 0 : i32
      %dma_start3A_116 = arith.constant 0 : i32
      %dma_start3A_117 = tpu.memref_slice %arg8[%dma_start3A_115, %dma_start3A_116] : memref<640x64xf32, #tpu.memory_space<vmem>> -> memref<128x64xf32, #tpu.memory_space<vmem>>
      %dma_start3A_118 = arith.constant 0 : i32
      %dma_start3A_119 = tpu.memref_slice %arg5[%arg0, %add3A_109, %dma_start3A_118] : memref<2x10112x64xf32, #tpu.memory_space<hbm>> -> memref<1x128x64xf32, #tpu.memory_space<hbm>>
      %dma_start3A_120 = tpu.memref_squeeze %dma_start3A_119 : memref<1x128x64xf32, #tpu.memory_space<hbm>> -> memref<128x64xf32, #tpu.memory_space<hbm>>
      %dma_start3A_121 = arith.constant 0 : i32
      %dma_start3A_122 = tpu.memref_slice %arg5[%arg0, %add3A_109, %dma_start3A_121] : memref<2x10112x64xf32, #tpu.memory_space<hbm>> -> memref<1x128x64xf32, #tpu.memory_space<hbm>>
      %dma_start3A_123 = tpu.memref_squeeze %dma_start3A_122 : memref<1x128x64xf32, #tpu.memory_space<hbm>> -> memref<128x64xf32, #tpu.memory_space<hbm>>
      %dma_start3A_124 = arith.constant 0 : i32
      %dma_start3A_125 = arith.constant 0 : i32
      %dma_start3A_126 = tpu.memref_slice %arg8[%dma_start3A_124, %dma_start3A_125] : memref<640x64xf32, #tpu.memory_space<vmem>> -> memref<128x64xf32, #tpu.memory_space<vmem>>
      tpu.enqueue_dma source(%dma_start3A_126 : memref<128x64xf32, #tpu.memory_space<vmem>>) target(%dma_start3A_123 : memref<128x64xf32, #tpu.memory_space<hbm>>) target_semaphore(%run_scoped3A_114 : memref<!tpu.dma_semaphore, #tpu.memory_space<semaphore_mem>>)
      %dma_wait3A = arith.constant 0 : i32
      %dma_wait3A_127 = arith.constant 0 : i32
      %dma_wait3A_128 = tpu.memref_slice %arg8[%dma_wait3A, %dma_wait3A_127] : memref<640x64xf32, #tpu.memory_space<vmem>> -> memref<128x64xf32, #tpu.memory_space<vmem>>
      %dma_wait3A_129 = arith.constant 0 : i32
      %dma_wait3A_130 = tpu.memref_slice %arg5[%arg0, %add3A_109, %dma_wait3A_129] : memref<2x10112x64xf32, #tpu.memory_space<hbm>> -> memref<1x128x64xf32, #tpu.memory_space<hbm>>
      %dma_wait3A_131 = tpu.memref_squeeze %dma_wait3A_130 : memref<1x128x64xf32, #tpu.memory_space<hbm>> -> memref<128x64xf32, #tpu.memory_space<hbm>>
      %dma_wait3A_132 = arith.constant 0 : i32
      %dma_wait3A_133 = tpu.memref_slice %arg5[%arg0, %add3A_109, %dma_wait3A_132] : memref<2x10112x64xf32, #tpu.memory_space<hbm>> -> memref<1x128x64xf32, #tpu.memory_space<hbm>>
      %dma_wait3A_134 = tpu.memref_squeeze %dma_wait3A_133 : memref<1x128x64xf32, #tpu.memory_space<hbm>> -> memref<128x64xf32, #tpu.memory_space<hbm>>
      %dma_wait3A_135 = arith.constant 0 : i32
      %dma_wait3A_136 = arith.constant 0 : i32
      %dma_wait3A_137 = tpu.memref_slice %arg8[%dma_wait3A_135, %dma_wait3A_136] : memref<640x64xf32, #tpu.memory_space<vmem>> -> memref<128x64xf32, #tpu.memory_space<vmem>>
      tpu.wait_dma2 semaphore(%run_scoped3A_114 : memref<!tpu.dma_semaphore, #tpu.memory_space<semaphore_mem>>) src(%dma_wait3A_137 : memref<128x64xf32, #tpu.memory_space<vmem>>) dst(%dma_wait3A_134 : memref<128x64xf32, #tpu.memory_space<hbm>>)
      tpu.yield
    }) : () -> ()
    %add3A_110 = arith.constant 512 : i32
    %add3A_111 = arith.addi %mul3A_0, %add3A_110 : i32
    "tpu.region"() ({
      %run_scoped3A_114 = tpu.sem_alloc : memref<!tpu.dma_semaphore, #tpu.memory_space<semaphore_mem>>
      %dma_start3A_115 = arith.constant 0 : i32
      %dma_start3A_116 = arith.constant 0 : i32
      %dma_start3A_117 = tpu.memref_slice %arg8[%dma_start3A_115, %dma_start3A_116] : memref<640x64xf32, #tpu.memory_space<vmem>> -> memref<120x64xf32, #tpu.memory_space<vmem>>
      %dma_start3A_118 = arith.constant 0 : i32
      %dma_start3A_119 = tpu.memref_slice %arg10[%add3A_111, %dma_start3A_118] : memref<10112x64xf32, #tpu.memory_space<vmem_shared>> -> memref<120x64xf32, #tpu.memory_space<vmem_shared>>
      %dma_start3A_120 = arith.constant 0 : i32
      %dma_start3A_121 = arith.constant 0 : i32
      %dma_start3A_122 = tpu.memref_slice %arg8[%dma_start3A_120, %dma_start3A_121] : memref<640x64xf32, #tpu.memory_space<vmem>> -> memref<120x64xf32, #tpu.memory_space<vmem>>
      %dma_start3A_123 = arith.constant 0 : i32
      %dma_start3A_124 = tpu.memref_slice %arg10[%add3A_111, %dma_start3A_123] : memref<10112x64xf32, #tpu.memory_space<vmem_shared>> -> memref<120x64xf32, #tpu.memory_space<vmem_shared>>
      tpu.enqueue_dma source(%dma_start3A_124 : memref<120x64xf32, #tpu.memory_space<vmem_shared>>) target(%dma_start3A_122 : memref<120x64xf32, #tpu.memory_space<vmem>>) target_semaphore(%run_scoped3A_114 : memref<!tpu.dma_semaphore, #tpu.memory_space<semaphore_mem>>)
      %dma_wait3A = arith.constant 0 : i32
      %dma_wait3A_125 = arith.constant 0 : i32
      %dma_wait3A_126 = tpu.memref_slice %arg8[%dma_wait3A, %dma_wait3A_125] : memref<640x64xf32, #tpu.memory_space<vmem>> -> memref<120x64xf32, #tpu.memory_space<vmem>>
      %dma_wait3A_127 = arith.constant 0 : i32
      %dma_wait3A_128 = tpu.memref_slice %arg10[%add3A_111, %dma_wait3A_127] : memref<10112x64xf32, #tpu.memory_space<vmem_shared>> -> memref<120x64xf32, #tpu.memory_space<vmem_shared>>
      %dma_wait3A_129 = arith.constant 0 : i32
      %dma_wait3A_130 = arith.constant 0 : i32
      %dma_wait3A_131 = tpu.memref_slice %arg8[%dma_wait3A_129, %dma_wait3A_130] : memref<640x64xf32, #tpu.memory_space<vmem>> -> memref<120x64xf32, #tpu.memory_space<vmem>>
      %dma_wait3A_132 = arith.constant 0 : i32
      %dma_wait3A_133 = tpu.memref_slice %arg10[%add3A_111, %dma_wait3A_132] : memref<10112x64xf32, #tpu.memory_space<vmem_shared>> -> memref<120x64xf32, #tpu.memory_space<vmem_shared>>
      tpu.wait_dma2 semaphore(%run_scoped3A_114 : memref<!tpu.dma_semaphore, #tpu.memory_space<semaphore_mem>>) src(%dma_wait3A_133 : memref<120x64xf32, #tpu.memory_space<vmem_shared>>) dst(%dma_wait3A_131 : memref<120x64xf32, #tpu.memory_space<vmem>>)
      tpu.yield
    }) : () -> ()
    %add3A_112 = arith.constant 512 : i32
    %add3A_113 = arith.addi %mul3A_0, %add3A_112 : i32
    "tpu.region"() ({
      %run_scoped3A_114 = tpu.sem_alloc : memref<!tpu.dma_semaphore, #tpu.memory_space<semaphore_mem>>
      %dma_start3A_115 = arith.constant 0 : i32
      %dma_start3A_116 = arith.constant 0 : i32
      %dma_start3A_117 = tpu.memref_slice %arg8[%dma_start3A_115, %dma_start3A_116] : memref<640x64xf32, #tpu.memory_space<vmem>> -> memref<120x64xf32, #tpu.memory_space<vmem>>
      %dma_start3A_118 = arith.constant 0 : i32
      %dma_start3A_119 = tpu.memref_slice %arg5[%arg0, %add3A_113, %dma_start3A_118] : memref<2x10112x64xf32, #tpu.memory_space<hbm>> -> memref<1x120x64xf32, #tpu.memory_space<hbm>>
      %dma_start3A_120 = tpu.memref_squeeze %dma_start3A_119 : memref<1x120x64xf32, #tpu.memory_space<hbm>> -> memref<120x64xf32, #tpu.memory_space<hbm>>
      %dma_start3A_121 = arith.constant 0 : i32
      %dma_start3A_122 = tpu.memref_slice %arg5[%arg0, %add3A_113, %dma_start3A_121] : memref<2x10112x64xf32, #tpu.memory_space<hbm>> -> memref<1x120x64xf32, #tpu.memory_space<hbm>>
      %dma_start3A_123 = tpu.memref_squeeze %dma_start3A_122 : memref<1x120x64xf32, #tpu.memory_space<hbm>> -> memref<120x64xf32, #tpu.memory_space<hbm>>
      %dma_start3A_124 = arith.constant 0 : i32
      %dma_start3A_125 = arith.constant 0 : i32
      %dma_start3A_126 = tpu.memref_slice %arg8[%dma_start3A_124, %dma_start3A_125] : memref<640x64xf32, #tpu.memory_space<vmem>> -> memref<120x64xf32, #tpu.memory_space<vmem>>
      tpu.enqueue_dma source(%dma_start3A_126 : memref<120x64xf32, #tpu.memory_space<vmem>>) target(%dma_start3A_123 : memref<120x64xf32, #tpu.memory_space<hbm>>) target_semaphore(%run_scoped3A_114 : memref<!tpu.dma_semaphore, #tpu.memory_space<semaphore_mem>>)
      %dma_wait3A = arith.constant 0 : i32
      %dma_wait3A_127 = arith.constant 0 : i32
      %dma_wait3A_128 = tpu.memref_slice %arg8[%dma_wait3A, %dma_wait3A_127] : memref<640x64xf32, #tpu.memory_space<vmem>> -> memref<120x64xf32, #tpu.memory_space<vmem>>
      %dma_wait3A_129 = arith.constant 0 : i32
      %dma_wait3A_130 = tpu.memref_slice %arg5[%arg0, %add3A_113, %dma_wait3A_129] : memref<2x10112x64xf32, #tpu.memory_space<hbm>> -> memref<1x120x64xf32, #tpu.memory_space<hbm>>
      %dma_wait3A_131 = tpu.memref_squeeze %dma_wait3A_130 : memref<1x120x64xf32, #tpu.memory_space<hbm>> -> memref<120x64xf32, #tpu.memory_space<hbm>>
      %dma_wait3A_132 = arith.constant 0 : i32
      %dma_wait3A_133 = tpu.memref_slice %arg5[%arg0, %add3A_113, %dma_wait3A_132] : memref<2x10112x64xf32, #tpu.memory_space<hbm>> -> memref<1x120x64xf32, #tpu.memory_space<hbm>>
      %dma_wait3A_134 = tpu.memref_squeeze %dma_wait3A_133 : memref<1x120x64xf32, #tpu.memory_space<hbm>> -> memref<120x64xf32, #tpu.memory_space<hbm>>
      %dma_wait3A_135 = arith.constant 0 : i32
      %dma_wait3A_136 = arith.constant 0 : i32
      %dma_wait3A_137 = tpu.memref_slice %arg8[%dma_wait3A_135, %dma_wait3A_136] : memref<640x64xf32, #tpu.memory_space<vmem>> -> memref<120x64xf32, #tpu.memory_space<vmem>>
      tpu.wait_dma2 semaphore(%run_scoped3A_114 : memref<!tpu.dma_semaphore, #tpu.memory_space<semaphore_mem>>) src(%dma_wait3A_137 : memref<120x64xf32, #tpu.memory_space<vmem>>) dst(%dma_wait3A_134 : memref<120x64xf32, #tpu.memory_space<hbm>>)
      tpu.yield
    }) : () -> ()
    "tpu.region"() ({
      %run_scoped3A_114 = tpu.sem_alloc : memref<!tpu.dma_semaphore, #tpu.memory_space<semaphore_mem>>
      %dma_start3A_115 = arith.constant 0 : i32
      %dma_start3A_116 = tpu.memref_slice %arg9[%dma_start3A_115] : memref<768xf32, #tpu.memory_space<vmem>> -> memref<640xf32, #tpu.memory_space<vmem>>
      %dma_start3A_117 = arith.constant 0 : i32
      %dma_start3A_118 = tpu.memref_slice %dma_start3A_116[%dma_start3A_117] : memref<640xf32, #tpu.memory_space<vmem>> -> memref<632xf32, #tpu.memory_space<vmem>>
      %dma_start3A_119 = tpu.memref_slice %arg11[%mul3A_0] : memref<10112xf32, #tpu.memory_space<vmem_shared>> -> memref<632xf32, #tpu.memory_space<vmem_shared>>
      %dma_start3A_120 = arith.constant 0 : i32
      %dma_start3A_121 = tpu.memref_slice %arg9[%dma_start3A_120] : memref<768xf32, #tpu.memory_space<vmem>> -> memref<640xf32, #tpu.memory_space<vmem>>
      %dma_start3A_122 = arith.constant 0 : i32
      %dma_start3A_123 = tpu.memref_slice %dma_start3A_121[%dma_start3A_122] : memref<640xf32, #tpu.memory_space<vmem>> -> memref<632xf32, #tpu.memory_space<vmem>>
      %dma_start3A_124 = tpu.memref_slice %arg11[%mul3A_0] : memref<10112xf32, #tpu.memory_space<vmem_shared>> -> memref<632xf32, #tpu.memory_space<vmem_shared>>
      tpu.enqueue_dma source(%dma_start3A_124 : memref<632xf32, #tpu.memory_space<vmem_shared>>) target(%dma_start3A_123 : memref<632xf32, #tpu.memory_space<vmem>>) target_semaphore(%run_scoped3A_114 : memref<!tpu.dma_semaphore, #tpu.memory_space<semaphore_mem>>)
      %dma_wait3A = arith.constant 0 : i32
      %dma_wait3A_125 = tpu.memref_slice %arg9[%dma_wait3A] : memref<768xf32, #tpu.memory_space<vmem>> -> memref<640xf32, #tpu.memory_space<vmem>>
      %dma_wait3A_126 = arith.constant 0 : i32
      %dma_wait3A_127 = tpu.memref_slice %dma_wait3A_125[%dma_wait3A_126] : memref<640xf32, #tpu.memory_space<vmem>> -> memref<632xf32, #tpu.memory_space<vmem>>
      %dma_wait3A_128 = tpu.memref_slice %arg11[%mul3A_0] : memref<10112xf32, #tpu.memory_space<vmem_shared>> -> memref<632xf32, #tpu.memory_space<vmem_shared>>
      %dma_wait3A_129 = arith.constant 0 : i32
      %dma_wait3A_130 = tpu.memref_slice %arg9[%dma_wait3A_129] : memref<768xf32, #tpu.memory_space<vmem>> -> memref<640xf32, #tpu.memory_space<vmem>>
      %dma_wait3A_131 = arith.constant 0 : i32
      %dma_wait3A_132 = tpu.memref_slice %dma_wait3A_130[%dma_wait3A_131] : memref<640xf32, #tpu.memory_space<vmem>> -> memref<632xf32, #tpu.memory_space<vmem>>
      %dma_wait3A_133 = tpu.memref_slice %arg11[%mul3A_0] : memref<10112xf32, #tpu.memory_space<vmem_shared>> -> memref<632xf32, #tpu.memory_space<vmem_shared>>
      tpu.wait_dma2 semaphore(%run_scoped3A_114 : memref<!tpu.dma_semaphore, #tpu.memory_space<semaphore_mem>>) src(%dma_wait3A_133 : memref<632xf32, #tpu.memory_space<vmem_shared>>) dst(%dma_wait3A_132 : memref<632xf32, #tpu.memory_space<vmem>>)
      tpu.yield
    }) : () -> ()
    "tpu.region"() ({
      %run_scoped3A_114 = tpu.sem_alloc : memref<!tpu.dma_semaphore, #tpu.memory_space<semaphore_mem>>
      %dma_start3A_115 = arith.constant 0 : i32
      %dma_start3A_116 = tpu.memref_slice %arg9[%dma_start3A_115] : memref<768xf32, #tpu.memory_space<vmem>> -> memref<640xf32, #tpu.memory_space<vmem>>
      %dma_start3A_117 = arith.constant 0 : i32
      %dma_start3A_118 = tpu.memref_slice %dma_start3A_116[%dma_start3A_117] : memref<640xf32, #tpu.memory_space<vmem>> -> memref<632xf32, #tpu.memory_space<vmem>>
      %dma_start3A_119 = arith.constant 0 : i32
      %dma_start3A_120 = tpu.memref_slice %arg6[%arg0, %arg1, %dma_start3A_119] : memref<2x16x632xf32, #tpu.memory_space<hbm>> -> memref<1x1x632xf32, #tpu.memory_space<hbm>>
      %dma_start3A_121 = tpu.memref_squeeze %dma_start3A_120 : memref<1x1x632xf32, #tpu.memory_space<hbm>> -> memref<632xf32, #tpu.memory_space<hbm>>
      %dma_start3A_122 = arith.constant 0 : i32
      %dma_start3A_123 = tpu.memref_slice %arg6[%arg0, %arg1, %dma_start3A_122] : memref<2x16x632xf32, #tpu.memory_space<hbm>> -> memref<1x1x632xf32, #tpu.memory_space<hbm>>
      %dma_start3A_124 = tpu.memref_squeeze %dma_start3A_123 : memref<1x1x632xf32, #tpu.memory_space<hbm>> -> memref<632xf32, #tpu.memory_space<hbm>>
      %dma_start3A_125 = arith.constant 0 : i32
      %dma_start3A_126 = tpu.memref_slice %arg9[%dma_start3A_125] : memref<768xf32, #tpu.memory_space<vmem>> -> memref<640xf32, #tpu.memory_space<vmem>>
      %dma_start3A_127 = arith.constant 0 : i32
      %dma_start3A_128 = tpu.memref_slice %dma_start3A_126[%dma_start3A_127] : memref<640xf32, #tpu.memory_space<vmem>> -> memref<632xf32, #tpu.memory_space<vmem>>
      tpu.enqueue_dma source(%dma_start3A_128 : memref<632xf32, #tpu.memory_space<vmem>>) target(%dma_start3A_124 : memref<632xf32, #tpu.memory_space<hbm>>) target_semaphore(%run_scoped3A_114 : memref<!tpu.dma_semaphore, #tpu.memory_space<semaphore_mem>>)
      %dma_wait3A = arith.constant 0 : i32
      %dma_wait3A_129 = tpu.memref_slice %arg9[%dma_wait3A] : memref<768xf32, #tpu.memory_space<vmem>> -> memref<640xf32, #tpu.memory_space<vmem>>
      %dma_wait3A_130 = arith.constant 0 : i32
      %dma_wait3A_131 = tpu.memref_slice %dma_wait3A_129[%dma_wait3A_130] : memref<640xf32, #tpu.memory_space<vmem>> -> memref<632xf32, #tpu.memory_space<vmem>>
      %dma_wait3A_132 = arith.constant 0 : i32
      %dma_wait3A_133 = tpu.memref_slice %arg6[%arg0, %arg1, %dma_wait3A_132] : memref<2x16x632xf32, #tpu.memory_space<hbm>> -> memref<1x1x632xf32, #tpu.memory_space<hbm>>
      %dma_wait3A_134 = tpu.memref_squeeze %dma_wait3A_133 : memref<1x1x632xf32, #tpu.memory_space<hbm>> -> memref<632xf32, #tpu.memory_space<hbm>>
      %dma_wait3A_135 = arith.constant 0 : i32
      %dma_wait3A_136 = tpu.memref_slice %arg6[%arg0, %arg1, %dma_wait3A_135] : memref<2x16x632xf32, #tpu.memory_space<hbm>> -> memref<1x1x632xf32, #tpu.memory_space<hbm>>
      %dma_wait3A_137 = tpu.memref_squeeze %dma_wait3A_136 : memref<1x1x632xf32, #tpu.memory_space<hbm>> -> memref<632xf32, #tpu.memory_space<hbm>>
      %dma_wait3A_138 = arith.constant 0 : i32
      %dma_wait3A_139 = tpu.memref_slice %arg9[%dma_wait3A_138] : memref<768xf32, #tpu.memory_space<vmem>> -> memref<640xf32, #tpu.memory_space<vmem>>
      %dma_wait3A_140 = arith.constant 0 : i32
      %dma_wait3A_141 = tpu.memref_slice %dma_wait3A_139[%dma_wait3A_140] : memref<640xf32, #tpu.memory_space<vmem>> -> memref<632xf32, #tpu.memory_space<vmem>>
      tpu.wait_dma2 semaphore(%run_scoped3A_114 : memref<!tpu.dma_semaphore, #tpu.memory_space<semaphore_mem>>) src(%dma_wait3A_141 : memref<632xf32, #tpu.memory_space<vmem>>) dst(%dma_wait3A_137 : memref<632xf32, #tpu.memory_space<hbm>>)
      tpu.yield
    }) : () -> ()
    return
  }
}

module attributes {stable_mosaic.version = 14 : i64} {
  func.func @body(%arg0: i32, %arg1: memref<2000x128xf32, #tpu.memory_space<vmem>>, %arg2: memref<2x2000x64xf32, #tpu.memory_space<vmem>>, %arg3: memref<2x2000x1xf32, #tpu.memory_space<vmem>>, %arg4: memref<256x128xf32, #tpu.memory_space<vmem>>, %arg5: memref<1x128xf32, #tpu.memory_space<vmem>>, %arg6: memref<2000x128xf32, #tpu.memory_space<vmem>>) attributes {dimension_semantics = [#tpu.dimension_semantics<arbitrary>], iteration_bounds = array<i64: 5>, scalar_prefetch = 0 : i64, scratch_operands = 0 : i64, tpu.core_type = #tpu.core_type<tc>, window_params = [{transform_indices = @transform_0, window_bounds = array<i64: 2000, 128>}, {transform_indices = @transform_1, window_bounds = array<i64: 2, 2000, 64>}, {transform_indices = @transform_2, window_bounds = array<i64: 2, 2000, 1>}, {pipeline_mode = #tpu.pipeline_mode<synchronous>, transform_indices = @transform_3, window_bounds = array<i64: 256, 128>}, {pipeline_mode = #tpu.pipeline_mode<synchronous>, transform_indices = @transform_4, window_bounds = array<i64: 1, 128>}, {transform_indices = @transform_5, window_bounds = array<i64: 2000, 128>}]} {
    %get3A = arith.constant 0 : index
    %get3A_0 = arith.constant 0 : index
    %get3A_1 = arith.constant 0 : index
    %get3A_2 = vector.load %arg3[%get3A, %get3A_0, %get3A_1] : memref<2x2000x1xf32, #tpu.memory_space<vmem>>, vector<1x2000x1xf32>
    %get3A_3 = vector.shape_cast %get3A_2 : vector<1x2000x1xf32> to vector<2000x1xf32>
    %get3A_4 = arith.constant 1 : index
    %get3A_5 = arith.constant 0 : index
    %get3A_6 = arith.constant 0 : index
    %get3A_7 = vector.load %arg3[%get3A_4, %get3A_5, %get3A_6] : memref<2x2000x1xf32, #tpu.memory_space<vmem>>, vector<1x2000x1xf32>
    %get3A_8 = vector.shape_cast %get3A_7 : vector<1x2000x1xf32> to vector<2000x1xf32>
    %add3A = arith.addf %get3A_3, %get3A_8 : vector<2000x1xf32>
    %mul3A = arith.constant 5.000000e-01 : f32
    %mul3A_9 = vector.broadcast %mul3A : f32 to vector<2000x1xf32>
    %mul3A_10 = arith.mulf %add3A, %mul3A_9 : vector<2000x1xf32>
    %max3A = arith.constant 1.000000e+00 : f32
    %max3A_11 = vector.broadcast %max3A : f32 to vector<2000x1xf32>
    %max3A_12 = arith.maximumf %mul3A_10, %max3A_11 : vector<2000x1xf32>
    %div3A = arith.constant 1.000000e+00 : f32
    %div3A_13 = vector.broadcast %div3A : f32 to vector<2000x1xf32>
    %div3A_14 = arith.divf %div3A_13, %max3A_12 : vector<2000x1xf32>
    %get3A_15 = arith.constant 0 : index
    %get3A_16 = arith.constant 0 : index
    %get3A_17 = arith.constant 0 : index
    %get3A_18 = vector.load %arg2[%get3A_15, %get3A_16, %get3A_17] : memref<2x2000x64xf32, #tpu.memory_space<vmem>>, vector<1x2000x64xf32>
    %get3A_19 = vector.shape_cast %get3A_18 : vector<1x2000x64xf32> to vector<2000x64xf32>
    %get3A_20 = arith.constant 1 : index
    %get3A_21 = arith.constant 0 : index
    %get3A_22 = arith.constant 0 : index
    %get3A_23 = vector.load %arg2[%get3A_20, %get3A_21, %get3A_22] : memref<2x2000x64xf32, #tpu.memory_space<vmem>>, vector<1x2000x64xf32>
    %get3A_24 = vector.shape_cast %get3A_23 : vector<1x2000x64xf32> to vector<2000x64xf32>
    %concatenate3A = tpu.concatenate %get3A_19, %get3A_24 in 1 : vector<2000x64xf32>, vector<2000x64xf32> -> vector<2000x128xf32>
    %mul3A_25 = vector.broadcast %div3A_14 : vector<2000x1xf32> to vector<2000x128xf32>
    %mul3A_26 = arith.mulf %concatenate3A, %mul3A_25 : vector<2000x128xf32>
    %get3A_27 = arith.constant 0 : index
    %get3A_28 = arith.constant 0 : index
    %get3A_29 = vector.load %arg1[%get3A_27, %get3A_28] : memref<2000x128xf32, #tpu.memory_space<vmem>>, vector<2000x128xf32>
    %get3A_30 = arith.constant 0 : index
    %get3A_31 = arith.constant 0 : index
    %get3A_32 = vector.load %arg4[%get3A_30, %get3A_31] : memref<256x128xf32, #tpu.memory_space<vmem>>, vector<128x128xf32>
    %dot_general3A = arith.constant dense<0.000000e+00> : vector<2000x128xf32>
    %dot_general3A_33 = tpu.matmul %get3A_29, %get3A_32, %dot_general3A {dimension_numbers = #tpu.dot_dimension_numbers<[1], [0], [0], [1], [0, 0, 1, 1], [], []>, transpose_lhs_hint = false} : vector<2000x128xf32>, vector<128x128xf32>, vector<2000x128xf32> -> vector<2000x128xf32>
    %get3A_34 = arith.constant 128 : index
    %get3A_35 = arith.constant 0 : index
    %get3A_36 = vector.load %arg4[%get3A_34, %get3A_35] : memref<256x128xf32, #tpu.memory_space<vmem>>, vector<128x128xf32>
    %dot_general3A_37 = arith.constant dense<0.000000e+00> : vector<2000x128xf32>
    %dot_general3A_38 = tpu.matmul %mul3A_26, %get3A_36, %dot_general3A_37 {dimension_numbers = #tpu.dot_dimension_numbers<[1], [0], [0], [1], [0, 0, 1, 1], [], []>, transpose_lhs_hint = false} : vector<2000x128xf32>, vector<128x128xf32>, vector<2000x128xf32> -> vector<2000x128xf32>
    %add3A_39 = arith.addf %dot_general3A_33, %dot_general3A_38 : vector<2000x128xf32>
    %get3A_40 = arith.constant 0 : index
    %get3A_41 = arith.constant 0 : index
    %get3A_42 = vector.load %arg5[%get3A_40, %get3A_41] : memref<1x128xf32, #tpu.memory_space<vmem>>, vector<1x128xf32>
    %add3A_43 = vector.broadcast %get3A_42 : vector<1x128xf32> to vector<2000x128xf32>
    %add3A_44 = arith.addf %add3A_39, %add3A_43 : vector<2000x128xf32>
    %swap3A = arith.constant 0 : index
    %swap3A_45 = arith.constant 0 : index
    %swap3A_46 = vector.load %arg6[%swap3A, %swap3A_45] : memref<2000x128xf32, #tpu.memory_space<vmem>>, vector<2000x128xf32>
    tpu.vector_store %arg6[%swap3A, %swap3A_45], %add3A_44 {strides = array<i32>} : memref<2000x128xf32, #tpu.memory_space<vmem>>, vector<2000x128xf32>,
    return
  }
  func.func @transform_0(%arg0: i32) -> (i32, i32) {
    %c0_i32 = arith.constant 0 : i32
    %c0_i32_0 = arith.constant 0 : i32
    return %arg0, %c0_i32 : i32, i32
  }
  func.func @transform_1(%arg0: i32) -> (i32, i32, i32) {
    %c0_i32 = arith.constant 0 : i32
    %c0_i32_0 = arith.constant 0 : i32
    %c0_i32_1 = arith.constant 0 : i32
    return %c0_i32, %arg0, %c0_i32_0 : i32, i32, i32
  }
  func.func @transform_2(%arg0: i32) -> (i32, i32, i32) {
    %c0_i32 = arith.constant 0 : i32
    %c0_i32_0 = arith.constant 0 : i32
    %c0_i32_1 = arith.constant 0 : i32
    return %c0_i32, %arg0, %c0_i32_0 : i32, i32, i32
  }
  func.func @transform_3(%arg0: i32) -> (i32, i32) {
    %c0_i32 = arith.constant 0 : i32
    %c0_i32_0 = arith.constant 0 : i32
    %c0_i32_1 = arith.constant 0 : i32
    return %c0_i32, %c0_i32_0 : i32, i32
  }
  func.func @transform_4(%arg0: i32) -> (i32, i32) {
    %c0_i32 = arith.constant 0 : i32
    %c0_i32_0 = arith.constant 0 : i32
    %c0_i32_1 = arith.constant 0 : i32
    return %c0_i32, %c0_i32_0 : i32, i32
  }
  func.func @transform_5(%arg0: i32) -> (i32, i32) {
    %c0_i32 = arith.constant 0 : i32
    %c0_i32_0 = arith.constant 0 : i32
    return %arg0, %c0_i32 : i32, i32
  }
}

</mosaic_0001>

<sc_bundles>
// kernel: kernel.4.cloned.1.call-start
scs
__scs_entry_jumppad:
0x0: {  	(pc) =	sbr.rel $0x88, $3  }
0x1: {  	(tag) =	ssettag $0x0;
	lr =	simm.s32 $0x1  }
0x2: {  	[smem:$0x3F9D] =	sst lr;
	_ =	strace $0xD0000000  }
0x3: {  	_ = 	snop  }
0x4: {  	_ = 	snop  }
0x5: {  	_ = 	snop  }
0x6: {  	_ = 	snop  }
0x7: {  	_ = 	snop  }
__scs_overlays_trampoline_lowered:
0x8: {  	[smem:$0x3FAC] =	sst s0  }
0x9: {  	[smem:$0x3FAD] =	sst s1  }
0xa: {  	[smem:$0x3FAE] =	sst s2  }
0xb: {  	[smem:$0x3FAF] =	sst s3  }
0xc: {  	[smem:$0x3FB0] =	sst s4  }
0xd: {  	[smem:$0x3FB1] =	sst s5  }
0xe: {  	[smem:$0x3FB2] =	sst s6  }
0xf: {  	[smem:$0x3FB3] =	sst s7  }
0x10: {  	[smem:$0x3FB4] =	sst s8  }
0x11: {  	[smem:$0x3FB5] =	sst s9;
	s0 =	simm.s32 @!p0 $0x0  }
0x12: {  	s1 =	sld [smem:$0x3F9B];
	s0 =	simm.s32 @p0 $0x1  }
0x13: {  	[smem:$0x3FB6] =	sst s0;
	s0 =	simm.s32 @!p1 $0x0  }
0x14: {  	s2 =	sld [smem:$0x3F9A];
	s0 =	simm.s32 @p1 $0x1  }
0x15: {  	[smem:$0x3FB7] =	sst s0;
	s0 =	simm.s32 @!p2 $0x0  }
0x16: {  	s3 =	sld [smem:$0x3FDB];
	s0 =	simm.s32 @p2 $0x1  }
0x17: {  	s4 =	simm.s32 $0x1BF5;
	[smem:$0x3FB9] =	sst s0  }
0x18: {  	s0 =	sld [smem:$0x3F9C];
	_ =	swait.ge [sflag:s4], $0x0  }
0x19: {  	s7 =	sld [smem:$0x3F9D]  }
0x1a: {  	s8 =	sadd.s32 $0xFFFFE003, lr  }
0x1b: {  	s9 =	sadd.s32 $0xFFFFFEF7, lr;
	s5 =	simm.s32 $0xFFFFFFFF;
	p2 =	slt.u32 s8, $0xFFFFF086  }
0x1c: {  	p1 =	slt.u32 s9, $0xF7A;
	s5 =	simm.s32 @!p2 $0x0  }
0x1d: {  	s5 =	simm.s32 @p1 $0x1;
	p0 =	seq.s32 s7, s2  }
0x1e: {  	s7 =	smul.u32 @!p0 $0xF7A, s2;
	p2 =	seq.s32 @!p0 s5, $0x0  }
0x1f: {  	s9 =	smul.u32 $0xF7A, s1;
	s8 =	simm.s32 @!p0 $0x1BF5;
	p2 =	por !p2, p0  }
0x20: {  	[sflag:s8] =	ssyncset.s32 @!p0 $0xFFFFF086;
	s6 =	sadd.s32 @!p0 s3, s7;
	s7 =	simm.s32 @!p0 $0x108  }
0x21: {  	s3 =	sadd.s32 s3, s9;
	s6 =	sadd.s32 @!p0 $0x88, s6;
	s7 =	simm.s32 @p2 $0x1082  }
0x22: {  	[simem:s7], [sflag:s8] =	dma.local @!p0 [hbm:s6], $0xF7A  }
0x23: {  	s9 =	sor.u32 $0xD0000000, s2;
	s6 =	simm.s32 $0x108;
	_ =	swait.ge @!p0 [sflag:s8], $0x0  }
0x24: {  	s3 =	sadd.s32 $0x88, s3;
	s6 =	simm.s32 @!p1 $0x1082;
	[sflag:s4] =	ssyncset.s32 $0xFFFFF086  }
0x25: {  	[simem:s6], [sflag:s4] =	dma.local [hbm:s3], $0xF7A  }
0x26: {  	[smem:$0x3F9D] =	sst s1;
	(tag) =	ssettag s2;
	_ =	strace s9  }
0x27: {  	s1 =	sld [smem:$0x3FAD]  }
0x28: {  	s2 =	sld [smem:$0x3FAE]  }
0x29: {  	s4 =	sld [smem:$0x3FB0]  }
0x2a: {  	p0 =	seq.s32 s5, $0x0;
	s5 =	sld [smem:$0x3FB1]  }
0x2b: {  	s6 =	sld [smem:$0x3FB2]  }
0x2c: {  	s7 =	sld [smem:$0x3FB3]  }
0x2d: {  	s3 =	simm.s32 $0x108;
	s8 =	sld [smem:$0x3FB4]  }
0x2e: {  	s3 =	simm.s32 @!p0 $0x1082;
	s9 =	sld [smem:$0x3FB5]  }
0x2f: {  	lr =	sadd.s32 s0, s3;
	s0 =	sld [smem:$0x3FAC]  }
0x30: {  	s3 =	sld [smem:$0x3FAF]  }
0x31: {  	[smem:$0x3FB8] =	sst s10  }
0x32: {  	s10 =	sld [smem:$0x3FB6];
	_ =	sdelay $0x3  }
0x33: {  	p0 =	seq.s32 s10, $0x1;
	s10 =	sld [smem:$0x3FB8];
	_ =	sdelay $0x3  }
0x34: {  	[smem:$0x3FB8] =	sst s10  }
0x35: {  	s10 =	sld [smem:$0x3FB7];
	_ =	sdelay $0x3  }
0x36: {  	p1 =	seq.s32 s10, $0x1;
	s10 =	sld [smem:$0x3FB8];
	_ =	sdelay $0x3  }
0x37: {  	[smem:$0x3FB8] =	sst s10  }
0x38: {  	s10 =	sld [smem:$0x3FB9]  }
0x39: {  	_ = 	snop;
	(pc) =	sbr.ind lr, $3  }
0x3a: {  	_ = 	snop  }
0x3b: {  	_ = 	snop  }
0x3c: {  	p2 =	seq.s32 s10, $0x1;
	s10 =	sld [smem:$0x3FB8]  }
0x3d: {  	_ =	shalt  }
0x3e: {  	_ =	shalt  }
0x3f: {  	_ =	shalt  }
0x40: {  	_ =	shalt  }
0x41: {  	_ =	shalt  }
0x42: {  	_ =	shalt  }
0x43: {  	_ =	shalt  }
0x44: {  	_ =	shalt  }
0x45: {  	_ =	shalt  }
0x46: {  	_ =	shalt  }
0x47: {  	_ =	shalt  }
0x48: {  	_ =	shalt  }
0x49: {  	_ =	shalt  }
0x4a: {  	_ =	shalt  }
0x4b: {  	_ =	shalt  }
0x4c: {  	_ =	shalt  }
0x4d: {  	_ =	shalt  }
0x4e: {  	_ =	shalt  }
0x4f: {  	_ =	shalt  }
0x50: {  	_ =	shalt  }
0x51: {  	_ =	shalt  }
0x52: {  	_ =	shalt  }
0x53: {  	_ =	shalt  }
0x54: {  	_ =	shalt  }
0x55: {  	_ =	shalt  }
0x56: {  	_ =	shalt  }
0x57: {  	_ =	shalt  }
0x58: {  	_ =	shalt  }
0x59: {  	_ =	shalt  }
0x5a: {  	_ =	shalt  }
0x5b: {  	_ =	shalt  }
0x5c: {  	_ =	shalt  }
0x5d: {  	_ =	shalt  }
0x5e: {  	_ =	shalt  }
0x5f: {  	_ =	shalt  }
0x60: {  	_ =	shalt  }
0x61: {  	_ =	shalt  }
0x62: {  	_ =	shalt  }
0x63: {  	_ =	shalt  }
0x64: {  	_ =	shalt  }
0x65: {  	_ =	shalt  }
0x66: {  	_ =	shalt  }
0x67: {  	_ =	shalt  }
0x68: {  	_ =	shalt  }
0x69: {  	_ =	shalt  }
0x6a: {  	_ =	shalt  }
0x6b: {  	_ =	shalt  }
0x6c: {  	_ =	shalt  }
0x6d: {  	_ =	shalt  }
0x6e: {  	_ =	shalt  }
0x6f: {  	_ =	shalt  }
0x70: {  	_ =	shalt  }
0x71: {  	_ =	shalt  }
0x72: {  	_ =	shalt  }
0x73: {  	_ =	shalt  }
0x74: {  	_ =	shalt  }
0x75: {  	_ =	shalt  }
0x76: {  	_ =	shalt  }
0x77: {  	_ =	shalt  }
0x78: {  	_ =	shalt  }
0x79: {  	_ =	shalt  }
0x7a: {  	_ =	shalt  }
0x7b: {  	_ =	shalt  }
0x7c: {  	_ =	shalt  }
0x7d: {  	_ =	shalt  }
0x7e: {  	_ =	shalt  }
0x7f: {  	_ =	shalt  }
0x80: {  	_ =	shalt  }
0x81: {  	_ =	shalt  }
0x82: {  	_ =	shalt  }
0x83: {  	_ =	shalt  }
0x84: {  	_ =	shalt  }
0x85: {  	_ =	shalt  }
0x86: {  	_ =	shalt  }
0x87: {  	_ =	shalt  }
.Lfunc_end0:
.L_simem_size_0:
called_computation_lowered:
.L_overlay_start_0:
0x88: {  	s2 =	sld [smem:$0x3FD9]  }
0x89: {  	s3 =	sld [smem:$0x3FFE];
	_ =	sdelay $0x1  }
0x8a: {  	s1 =	srdreg.scid  }
0x8b: {  	s0 =	sand.u32 $0x1, s1  }
0x8c: {  	s17 =	sshll.u32 s0, $0xA;
	s2 =	sadd.s32 s3, s2  }
0x8d: {  	s2 =	sadd.s32 s2, s17  }
0x8e: {  	[smem:$0x3FC4] =	sst s2  }
0x8f: {  	_ = 	snop  }
0x90: {  	s2 =	sld [smem:$0x3FD0];
	(tm) =	ssettm $0x1  }
0x91: {  	s18 =	sld [smem:$0x3FFB];
	_ =	sdelay $0x3  }
0x92: {  	_ =	strace s18  }
0x93: {  	s3 =	sld [smem:$0x3FFC];
	_ =	sdelay $0x3  }
0x94: {  	_ =	strace s3  }
0x95: {  	s3 =	sld [smem:$0x3FFD];
	_ =	sdelay $0x3  }
0x96: {  	_ =	strace s3  }
0x97: {  	_ =	strace $0x8FFFFFFF  }
0x98: {  	s19 =	sld [smem:$0x3FDB];
	_ =	sdelay $0x1  }
0x99: {  	s4 =	simm.s32 $_scs_section_size  }
0x9a: {  	s5 =	simm.s32 $_size__tile_overlayer_lowered;
	s6 =	simm.s32 $_tile_overlayer_lowered  }
0x9b: {  	s22 =	simm.s32 $0x1BFF;
	s21 =	sshll.u32 s6, $0x1;
	s3 =	sadd.s32 s4, s19  }
0x9c: {  	s7 =	simm.s32 $0x0;
	s20 =	sshll.u32 s5, $0x1;
	s5 =	sadd.s32 s21, s3  }
0x9d: {  	[timem:s7], [sflag:s22] =	dma.local [hbm:s5], s20  }
0x9e: {  	_ =	swait.ge [sflag:s22], s20  }
0x9f: {  	s4 =	ssub.s32 $0x0, s20;
	[sflag:s22] =	ssyncset.done $0x0  }
0xa0: {  	[sflag:s22] =	ssyncadd.s32 s4;
	_ =	sdelay $0x1  }
0xa1: {  	s23 =	simm.s32 $0x1B8B  }
0xa2: {  	_ =	swait.ge [sflag:s23], $0x1  }
0xa3: {  	[sflag:s23] =	ssyncset.done $0x0  }
0xa4: {  	s25 =	simm.s32 $0x1B8E;
	s24 =	sld [smem:$0x3FFE];
	[sflag:s23] =	ssyncadd.s32 $0xFFFFFFFF  }
0xa5: {  	s26 =	simm.s32 $execute0_lowered;
	[smem:$0x3FD2] =	sst s25  }
0xa6: {  	s5 =	sshll.u32 s26, $0x1;
	_ =	strace $0x80000046;
	[dreg:$0x1] =	wrdreg $0xFFFFFFFF  }
0xa7: {  	s28 =	simm.s32 $_size_execute0_lowered;
	s3 =	sadd.s32 s3, s5;
	[dreg:$0x0] =	wrdreg $0x0  }
0xa8: {  	s5 =	sshll.u32 s28, $0x1;
	[dreg:$0x2] =	wrdreg s3  }
0xa9: {  	[dreg:$0x3] =	wrdreg s5  }
0xaa: {  	[dreg:$0x4] =	wrdreg $0xC0  }
0xab: {  	_ =	task [dreg:s7], $0x5FFFF  }
0xac: {  	[dreg:$0x1] =	wrdreg $0xFFFFFFFF  }
0xad: {  	[dreg:$0x0] =	wrdreg $0x60  }
0xae: {  	[dreg:$0x2] =	wrdreg s2  }
0xaf: {  	[dreg:$0x3] =	wrdreg s24  }
0xb0: {  	[dreg:$0x4] =	wrdreg $0x143000  }
0xb1: {  	[dreg:$0x5] =	wrdreg $0x1E1000  }
0xb2: {  	[dreg:$0x6] =	wrdreg $0x9  }
0xb3: {  	_ =	task.clear_ibuf [dreg:s7], $0x7FFFF;
	_ =	strace $0x90000046  }
0xb4: {  	s29 =	simm.s32 $0x9;
	_ =	strace $0x80000048  }
0xb5: {  	_ =	swait.ge [sflag:s29], $0x1  }
0xb6: {  	[sflag:s29] =	ssyncadd.s32 $0xFFFFFFFF  }
0xb7: {  	_ =	strace $0x90000048  }
0xb8: {  	_ =	sfence  }
0xb9: {  	s30 =	sld [smem:$0x0];
	_ =	sdelay $0x2  }
0xba: {  	s31 =	sshll.u32 s1, $0xD;
	s1 =	sshrl.u32 s1, $0x2  }
0xbb: {  	s3 =	sand.u32 $0x4000, s31;
	s1 =	sadd.s32 s1, s30  }
0xbc: {  	s0 =	sor.u32 s3, s0;
	s1 =	sshll.u32 s1, $0x11  }
0xbd: {  	s0 =	sor.u32 s1, s0  }
0xbe: {  	s0 =	sadd.s32 $0x8F2B, s0  }
0xbf: {  	[sflag:s0] =	ssyncadd.remote.s32 $0x1  }
0xc0: {  	_ =	sfence.sel $0xFFFF  }
0xc1: {  	[dreg:$0x0] =	wrdreg $0xFFFFFFFF;
	(pc) =	sbr.abs _section_cstart, $3  }
0xc2: {  	[dreg:$0x1] =	wrdreg $0xFFFFFFFF  }
0xc3: {  	_ =	task.clear_ibuf [dreg:s7], $0x2FFFF;
	_ =	strace $0x9FFFFFFF  }
0xc4: {  	(tm) =	ssettm $0x7FFFFFFF  }
0xc5: {  	_ =	shalt  }
tec
execute0_lowered:
.L_overlay_start_1:
0x0: {  	(tag) =	ssettag $0x1  }
0x1: {  	s1 =	rddreg [dreg:$0x0]  }
0x2: {  	s0 =	rddreg [dreg:$0x1];
	s2 =	srdreg.scid  }
0x3: {  	s11 =	stileid.u32;
	s3 =	rddreg [dreg:$0x2]  }
0x4: {  	s4 =	rddreg [dreg:$0x3];
	s6 =	smul.u32 $0x5000, s11  }
0x5: {  	s5 =	simm.s32 $0x0;
	s29 =	simm.s32 $0xE000;
	s13 =	smul.u32 $0x278, s11  }
0x6: {  	s31 =	simm.s32 $0x10000;
	s2 =	sand.u32 $0x1, s2;
	s12 =	smul.u32 $0x9E00, s11  }
0x7: {  	s28 =	simm.s32 $0x14280;
	s30 =	simm.s32 $0x2;
	s7 =	smul.u32 $0x50000, s2  }
0x8: {  	[smem:$0x7FF] =	sst s5;
	s14 =	sadd.s32 $0x1EC00, s0;
	s8 =	smul.u32 $0x2780, s2  }
0x9: {  	_ =	strace $0x80000047;
	s9 =	ssub.s32 $0x2, s2;
	s2 =	smul.u32 $0x9E000, s2  }
0xa: {  	s10 =	sshrl.u32 s9, $0x1;
	s20 =	sadd.s32 s12, s3;
	s11 =	sadd.s32 $0x4000, s12  }
0xb: {  	s16 =	sadd.s32 $0x6000, s12;
	s17 =	sadd.s32 $0x8000, s12;
	s7 =	sadd.s32 s6, s7  }
0xc: {  	s6 =	sshrl.u32 s6, $0x3;
	s8 =	sadd.s32 s13, s8;
	s15 =	ssub.s32 s9, s10  }
0xd: {  	s10 =	sadd.s32 $0x2000, s12;
	s18 =	sadd.s32 s11, s3;
	s19 =	sadd.s32 s16, s3  }
0xe: {  	s13 =	sadd.s32 s13, s4;
	s22 =	sadd.s32 s2, s11;
	s23 =	sadd.s32 s2, s16  }
0xf: {  	s11 =	simm.s32 $0x14000;
	s16 =	simm.s32 $0x0;
	s7 =	sshrl.u32 s7, $0x3  }
0x10: {  	s6 =	sadd.s32 s6, s0;
	s8 =	sshrl.u32 s8, $0x3;
	[dreg:$0x7] =	wrdreg s18  }
0x11: {  	s24 =	sadd.s32 s10, s3;
	[dreg:$0xf] =	wrdreg s19;
	s18 =	sadd.s32 s12, s2  }
0x12: {  	s12 =	sadd.s32 s17, s3;
	s26 =	smax.u32 s15, $0x1;
	s15 =	simm.s32 $0xB  }
0x13: {  	s7 =	sadd.s32 s7, s0;
	s0 =	sadd.s32 s8, s0;
	s6 =	sadd.s32 $0xC00, s6  }
0x14: {  	s18 =	sshrl.u32 s18, $0x3;
	[dreg:$0xe] =	wrdreg s26;
	s26 =	simm.s32 $0xC000  }
0x15: {  	s7 =	sadd.s32 $0xAC00, s7;
	[dreg:$0x6] =	wrdreg s6;
	s6 =	sadd.s32 s2, s10  }
0x16: {  	s21 =	sadd.s32 s14, s18;
	s2 =	sadd.s32 s2, s17;
	[dreg:$0x5] =	wrdreg s7  }
0x17: {  	s0 =	sadd.s32 $0x46400, s0;
	[dreg:$0x8] =	wrdreg s21;
	s6 =	sshrl.u32 s6, $0x3  }
0x18: {  	s7 =	sshrl.u32 s23, $0x3;
	s2 =	sshrl.u32 s2, $0x3;
	[dreg:$0xd] =	wrdreg s0  }
0x19: {  	s21 =	simm.s32 $0xC;
	s23 =	simm.s32 $0xA000;
	s6 =	sadd.s32 s14, s6  }
0x1a: {  	s0 =	simm.s32 $0x12000;
	s25 =	sadd.s32 s14, s7;
	[dreg:$0x9] =	wrdreg s6  }
0x1b: {  	s2 =	sadd.s32 s14, s2;
	s7 =	simm.s32 $0x5;
	[dreg:$0xb] =	wrdreg s25  }
0x1c: {  	s6 =	sshrl.u32 s22, $0x3;
	[dreg:$0xc] =	wrdreg s2;
	s25 =	simm.s32 $0x80  }
0x1d: {  	s22 =	simm.s32 $0x1;
	s2 =	simm.s32 $0x3;
	s6 =	sadd.s32 s14, s6  }
0x1e: {  	v0 =	vimm.f32 $0.0e+00;
	v1 =	vimm.f32 $1.000000000e+00;
	s14 =	simm.s32 $0x6;
	[dreg:$0xa] =	wrdreg s6;
	s6 =	simm.s32 $0x4  }
.LBB2_1:
0x1f: {  	s8 =	rddreg [dreg:$0x5]  }
0x20: {  	[tilespmem:s5], [sflag:$0xC] =	stream.linear.gather [hbm4b:s8+s5], $0x5000, $0x38;
	[tilespmem:$0x1E378] =	vst v63  }
0x21: {  	_ =	swait.ge [sflag:s21], $0x5000  }
0x22: {  	[sflag:s21] =	ssyncset.done $0x0  }
0x23: {  	s9 =	simm.s32 $0x5000;
	s19 =	rddreg [dreg:$0x6];
	[sflag:s21] =	ssyncadd.s32 $0xFFFFB000  }
0x24: {  	[tilespmem:s9], [sflag:$0xC] =	stream.linear.gather [hbm4b:s19+s5], $0x5000, $0x38;
	[tilespmem:$0x1E378] =	vst v63  }
0x25: {  	_ =	swait.ge [sflag:s21], $0x5000  }
0x26: {  	[sflag:s21] =	ssyncset.done $0x0  }
0x27: {  	s18 =	simm.s32 $0x100;
	s17 =	simm.s32 $0x0;
	[sflag:s21] =	ssyncadd.s32 $0xFFFFB000  }
.LBB2_2:
0x28: {  	p0 =	sne.s32 s18, $0x7F00;
	[tilespmem:s17+$0xA030] =	vst v0;
	s19 =	smov.u32 s18;
	s18 =	sadd.s32 $0x100, s18  }
.Ltmp0:
0x29: {  	[tilespmem:s17+$0xA020] =	vst v0;
	(pc) =	sbr.rel @p0 .LBB2_2-.Ltmp0, $3  }
0x2a: {  	[tilespmem:s17+$0xA000] =	vst v0  }
0x2b: {  	[tilespmem:s17+$0xA010] =	vst v0;
	_ =	sdelay $0x1  }
0x2c: {  	s17 =	sshra.s32 s19, $0x2  }
0x2d: {  	[tilespmem:s17+$0xA030] =	vst v0  }
0x2e: {  	[tilespmem:s17+$0xA020] =	vst v0  }
0x2f: {  	[tilespmem:s17+$0xA000] =	vst v0  }
0x30: {  	[tilespmem:s17+$0xA010] =	vst v0  }
0x31: {  	[tilespmem:$0x14000] =	vst v0  }
0x32: {  	[tilespmem:$0x14010] =	vst v0  }
0x33: {  	[tilespmem:$0x14020] =	vst v0  }
0x34: {  	[tilespmem:$0x14030] =	vst v0  }
0x35: {  	[tilespmem:$0x14040] =	vst v0  }
0x36: {  	[tilespmem:$0x14050] =	vst v0  }
0x37: {  	[tilespmem:$0x14060] =	vst v0  }
0x38: {  	[tilespmem:$0x14070] =	vst v0  }
0x39: {  	[tilespmem:$0x14080] =	vst v0  }
0x3a: {  	[tilespmem:$0x14090] =	vst v0  }
0x3b: {  	[tilespmem:$0x140A0] =	vst v0  }
0x3c: {  	[tilespmem:$0x140B0] =	vst v0  }
0x3d: {  	[tilespmem:$0x140C0] =	vst v0  }
0x3e: {  	[tilespmem:$0x140D0] =	vst v0  }
0x3f: {  	[tilespmem:$0x140E0] =	vst v0  }
0x40: {  	[tilespmem:$0x140F0] =	vst v0  }
0x41: {  	[tilespmem:$0x14100] =	vst v0  }
0x42: {  	[tilespmem:$0x14110] =	vst v0  }
0x43: {  	[tilespmem:$0x14120] =	vst v0  }
0x44: {  	[tilespmem:$0x14130] =	vst v0  }
0x45: {  	[tilespmem:$0x14140] =	vst v0  }
0x46: {  	[tilespmem:$0x14150] =	vst v0  }
0x47: {  	[tilespmem:$0x14160] =	vst v0  }
0x48: {  	[tilespmem:$0x14170] =	vst v0  }
0x49: {  	[tilespmem:$0x14180] =	vst v0  }
0x4a: {  	[tilespmem:$0x14190] =	vst v0  }
0x4b: {  	[tilespmem:$0x141A0] =	vst v0  }
0x4c: {  	[tilespmem:$0x141B0] =	vst v0  }
0x4d: {  	[tilespmem:$0x141C0] =	vst v0  }
0x4e: {  	[tilespmem:$0x141D0] =	vst v0  }
0x4f: {  	[tilespmem:$0x141E0] =	vst v0  }
0x50: {  	[tilespmem:$0x141F0] =	vst v0  }
0x51: {  	[tilespmem:$0x14200] =	vst v0  }
0x52: {  	[tilespmem:$0x14210] =	vst v0  }
0x53: {  	[tilespmem:$0x14220] =	vst v0  }
0x54: {  	[tilespmem:$0x14230] =	vst v0  }
0x55: {  	[tilespmem:$0x14240] =	vst v0  }
0x56: {  	[tilespmem:$0x14250] =	vst v0  }
0x57: {  	[tilespmem:$0x14260] =	vst v0  }
0x58: {  	[tilespmem:$0x14270] =	vst v0  }
0x59: {  	[tilespmem:$0x14280] =	vst v1  }
0x5a: {  	[tilespmem:$0x14290] =	vst v1  }
0x5b: {  	[tilespmem:$0x142A0] =	vst v1  }
0x5c: {  	[tilespmem:$0x142B0] =	vst v1  }
0x5d: {  	[tilespmem:$0x142C0] =	vst v1  }
0x5e: {  	[tilespmem:$0x142D0] =	vst v1  }
0x5f: {  	[tilespmem:$0x142E0] =	vst v1  }
0x60: {  	[tilespmem:$0x142F0] =	vst v1  }
0x61: {  	[spmem:s20] =	stream.linear.scatter [tilespmem:s23], [sflag:$0xC], $0x2000, $0x38;
	[tilespmem:$0x1E378] =	vst v63  }
0x62: {  	_ =	swait.ge [sflag:s21], $0x2000  }
0x63: {  	[sflag:s21] =	ssyncset.done $0x0  }
0x64: {  	[sflag:s21] =	ssyncadd.s32 $0xFFFFE000  }
0x65: {  	[spmem:s24] =	stream.linear.scatter [tilespmem:s23], [sflag:$0xC], $0x2000, $0x38;
	[tilespmem:$0x1E378] =	vst v63  }
0x66: {  	_ =	swait.ge [sflag:s21], $0x2000  }
0x67: {  	[sflag:s21] =	ssyncset.done $0x0  }
0x68: {  	s8 =	rddreg [dreg:$0x7];
	[sflag:s21] =	ssyncadd.s32 $0xFFFFE000  }
0x69: {  	[spmem:s8] =	stream.linear.scatter [tilespmem:s23], [sflag:$0xC], $0x2000, $0x38;
	[tilespmem:$0x1E378] =	vst v63  }
0x6a: {  	_ =	swait.ge [sflag:s21], $0x2000  }
0x6b: {  	[sflag:s21] =	ssyncset.done $0x0  }
0x6c: {  	s17 =	rddreg [dreg:$0xf];
	[sflag:s21] =	ssyncadd.s32 $0xFFFFE000  }
0x6d: {  	[spmem:s17] =	stream.linear.scatter [tilespmem:s23], [sflag:$0xC], $0x2000, $0x38;
	[tilespmem:$0x1E378] =	vst v63  }
0x6e: {  	_ =	swait.ge [sflag:s21], $0x2000  }
0x6f: {  	[sflag:s21] =	ssyncset.done $0x0  }
0x70: {  	[sflag:s21] =	ssyncadd.s32 $0xFFFFE000  }
0x71: {  	[spmem:s12] =	stream.linear.scatter [tilespmem:s23], [sflag:$0xC], $0x1E00, $0x38;
	[tilespmem:$0x1E378] =	vst v63  }
0x72: {  	_ =	swait.ge [sflag:s21], $0x1E00  }
0x73: {  	[sflag:s21] =	ssyncset.done $0x0  }
0x74: {  	[sflag:s21] =	ssyncadd.s32 $0xFFFFE200  }
0x75: {  	[spmem:s13] =	stream.linear.scatter [tilespmem:s11], [sflag:$0xC], $0x278, $0x38;
	[tilespmem:$0x1E378] =	vst v63  }
0x76: {  	_ =	swait.ge [sflag:s21], $0x278  }
0x77: {  	[sflag:s21] =	ssyncset.done $0x0  }
0x78: {  	[sflag:s21] =	ssyncadd.s32 $0xFFFFFD88  }
0x79: {  	s18 =	simm.s32 $0x0;
	[bflag:$0x0] =	sbarrier.arrive $0xFFFF  }
0x7a: {  	[tilespmem:s23], [sflag:$0x1] =	stream.indirect.gather [hbm4b:s1+s25], $0x40, s18, s25, $0xb8;
	[tilespmem:$0x1E378] =	vst v63  }
0x7b: {  	_ = 	snop  }
0x7c: {  	[tilespmem:s26], [sflag:$0x2] =	stream.indirect.gather [hbm4b:s1+s25], $0x40, s25, s25, $0xb8;
	[tilespmem:$0x1E378] =	vst v63  }
0x7d: {  	s19 =	simm.s32 $0x100  }
0x7e: {  	[tilespmem:s29], [sflag:$0x3] =	stream.indirect.gather [hbm4b:s1+s25], $0x40, s19, s25, $0xb8;
	[tilespmem:$0x1E378] =	vst v63  }
0x7f: {  	s9 =	smov.u32 s20;
	s20 =	simm.s32 $0x180  }
0x80: {  	[tilespmem:s31], [sflag:$0x4] =	stream.indirect.gather [hbm4b:s1+s25], $0x40, s20, s25, $0xb8;
	[tilespmem:$0x1E378] =	vst v63  }
0x81: {  	s10 =	smov.u32 s24;
	s24 =	simm.s32 $0x200  }
0x82: {  	[tilespmem:s0], [sflag:$0x5] =	stream.indirect.gather [hbm4b:s1+s25], $0x40, s24, s25, $0xb8;
	[tilespmem:$0x1E378] =	vst v63  }
0x83: {  	_ =	swait.ge [sflag:s22], $0x2000  }
0x84: {  	[sflag:s22] =	ssyncset.done $0x0  }
0x85: {  	s11 =	simm.s32 $0x5000;
	[sflag:s22] =	ssyncadd.s32 $0xFFFFE000  }
0x86: {  	[spmem:s3] =	stream.indirect.scatter.add.f32 [tilespmem:s23], [sflag:$0x6], $0x40, s11, s25, $0xb8;
	[tilespmem:$0x1E378] =	vst v63  }
0x87: {  	_ = 	snop  }
0x88: {  	[spmem:s4] =	stream.indirect.scatter.add.f32 [tilespmem:s28], [sflag:$0xB], $0x1, s11, s25, $0xb8;
	[tilespmem:$0x1E378] =	vst v63  }
0x89: {  	_ =	swait.ge [sflag:s30], $0x2000  }
0x8a: {  	[sflag:s30] =	ssyncset.done $0x0  }
0x8b: {  	s18 =	simm.s32 $0x5080;
	[sflag:s30] =	ssyncadd.s32 $0xFFFFE000  }
0x8c: {  	[spmem:s3] =	stream.indirect.scatter.add.f32 [tilespmem:s26], [sflag:$0x7], $0x40, s18, s25, $0xb8;
	[tilespmem:$0x1E378] =	vst v63  }
0x8d: {  	_ = 	snop  }
0x8e: {  	[spmem:s4] =	stream.indirect.scatter.add.f32 [tilespmem:s28], [sflag:$0xB], $0x1, s18, s25, $0xb8;
	[tilespmem:$0x1E378] =	vst v63  }
0x8f: {  	_ =	swait.ge [sflag:s2], $0x2000  }
0x90: {  	[sflag:s2] =	ssyncset.done $0x0  }
0x91: {  	s19 =	simm.s32 $0x5100;
	[sflag:s2] =	ssyncadd.s32 $0xFFFFE000  }
0x92: {  	[spmem:s3] =	stream.indirect.scatter.add.f32 [tilespmem:s29], [sflag:$0x8], $0x40, s19, s25, $0xb8;
	[tilespmem:$0x1E378] =	vst v63  }
0x93: {  	_ = 	snop  }
0x94: {  	[spmem:s4] =	stream.indirect.scatter.add.f32 [tilespmem:s28], [sflag:$0xB], $0x1, s19, s25, $0xb8;
	[tilespmem:$0x1E378] =	vst v63  }
0x95: {  	_ =	swait.ge [sflag:s6], $0x2000  }
0x96: {  	[sflag:s6] =	ssyncset.done $0x0  }
0x97: {  	s20 =	simm.s32 $0x5180;
	[sflag:s6] =	ssyncadd.s32 $0xFFFFE000  }
0x98: {  	[spmem:s3] =	stream.indirect.scatter.add.f32 [tilespmem:s31], [sflag:$0x9], $0x40, s20, s25, $0xb8;
	[tilespmem:$0x1E378] =	vst v63  }
0x99: {  	_ = 	snop  }
0x9a: {  	[spmem:s4] =	stream.indirect.scatter.add.f32 [tilespmem:s28], [sflag:$0xB], $0x1, s20, s25, $0xb8;
	[tilespmem:$0x1E378] =	vst v63  }
0x9b: {  	_ =	swait.ge [sflag:s7], $0x2000  }
0x9c: {  	[sflag:s7] =	ssyncset.done $0x0  }
0x9d: {  	s24 =	simm.s32 $0x5200;
	[sflag:s7] =	ssyncadd.s32 $0xFFFFE000  }
0x9e: {  	[spmem:s3] =	stream.indirect.scatter.add.f32 [tilespmem:s0], [sflag:$0xA], $0x40, s24, s25, $0xb8;
	[tilespmem:$0x1E378] =	vst v63  }
0x9f: {  	_ = 	snop  }
0xa0: {  	[spmem:s4] =	stream.indirect.scatter.add.f32 [tilespmem:s28], [sflag:$0xB], $0x1, s24, s25, $0xb8;
	[tilespmem:$0x1E378] =	vst v63  }
0xa1: {  	p0 =	por $0x1, $0x1;
	_ =	swait.ge [sflag:s14], $0x2000  }
0xa2: {  	s17 =	simm.s32 @p0 $0x80;
	[sflag:s14] =	ssyncset.done $0x0  }
0xa3: {  	s18 =	simm.s32 @p0 $0x280;
	s19 =	simm.s32 @p0 $0xA000;
	[sflag:s14] =	ssyncadd.s32 $0xFFFFE000  }
0xa4: {  	[tilespmem:s19], [sflag:$0x1] =	stream.indirect.gather @p0 [hbm4b:s1+s17], $0x40, s18, s17, $0xb8;
	[tilespmem:$0x1E378] =	vst v63  }
0xa5: {  	s18 =	simm.s32 @p0 $0x7  }
0xa6: {  	_ =	swait.ge @p0 [sflag:s18], $0x2000  }
0xa7: {  	[sflag:s18] =	ssyncset.done @p0 $0x0  }
0xa8: {  	s19 =	simm.s32 @p0 $0x300;
	[sflag:s18] =	ssyncadd.s32 @p0 $0xFFFFE000;
	s18 =	simm.s32 @p0 $0xC000  }
0xa9: {  	[tilespmem:s18], [sflag:$0x2] =	stream.indirect.gather @p0 [hbm4b:s1+s17], $0x40, s19, s17, $0xb8;
	[tilespmem:$0x1E378] =	vst v63  }
0xaa: {  	s18 =	simm.s32 @p0 $0x8  }
0xab: {  	_ =	swait.ge @p0 [sflag:s18], $0x2000  }
0xac: {  	[sflag:s18] =	ssyncset.done @p0 $0x0  }
0xad: {  	s19 =	simm.s32 @p0 $0x380;
	[sflag:s18] =	ssyncadd.s32 @p0 $0xFFFFE000;
	s18 =	simm.s32 @p0 $0xE000  }
0xae: {  	[tilespmem:s18], [sflag:$0x3] =	stream.indirect.gather @p0 [hbm4b:s1+s17], $0x40, s19, s17, $0xb8;
	[tilespmem:$0x1E378] =	vst v63  }
0xaf: {  	s18 =	simm.s32 @p0 $0x9  }
0xb0: {  	_ =	swait.ge @p0 [sflag:s18], $0x2000  }
0xb1: {  	[sflag:s18] =	ssyncset.done @p0 $0x0  }
0xb2: {  	s19 =	simm.s32 @p0 $0x400;
	[sflag:s18] =	ssyncadd.s32 @p0 $0xFFFFE000;
	s18 =	simm.s32 @p0 $0x10000  }
0xb3: {  	[tilespmem:s18], [sflag:$0x4] =	stream.indirect.gather @p0 [hbm4b:s1+s17], $0x40, s19, s17, $0xb8;
	[tilespmem:$0x1E378] =	vst v63  }
0xb4: {  	s18 =	simm.s32 @p0 $0xA  }
0xb5: {  	_ =	swait.ge @p0 [sflag:s18], $0x2000  }
0xb6: {  	[sflag:s18] =	ssyncset.done @p0 $0x0  }
0xb7: {  	s19 =	simm.s32 @p0 $0x480;
	[sflag:s18] =	ssyncadd.s32 @p0 $0xFFFFE000;
	s18 =	simm.s32 @p0 $0x12000  }
0xb8: {  	[tilespmem:s18], [sflag:$0x5] =	stream.indirect.gather @p0 [hbm4b:s1+s17], $0x40, s19, s17, $0xb8;
	[tilespmem:$0x1E378] =	vst v63  }
0xb9: {  	s17 =	simm.s32 @!p0 $0x7  }
0xba: {  	_ =	swait.ge @!p0 [sflag:s17], $0x2000  }
0xbb: {  	[sflag:s17] =	ssyncset.done @!p0 $0x0  }
0xbc: {  	[sflag:s17] =	ssyncadd.s32 @!p0 $0xFFFFE000;
	s17 =	simm.s32 @!p0 $0x8  }
0xbd: {  	_ =	swait.ge @!p0 [sflag:s17], $0x2000  }
0xbe: {  	[sflag:s17] =	ssyncset.done @!p0 $0x0  }
0xbf: {  	[sflag:s17] =	ssyncadd.s32 @!p0 $0xFFFFE000;
	s17 =	simm.s32 @!p0 $0x9  }
0xc0: {  	_ =	swait.ge @!p0 [sflag:s17], $0x2000  }
0xc1: {  	[sflag:s17] =	ssyncset.done @!p0 $0x0  }
0xc2: {  	[sflag:s17] =	ssyncadd.s32 @!p0 $0xFFFFE000;
	s17 =	simm.s32 @!p0 $0xA  }
0xc3: {  	_ =	swait.ge @!p0 [sflag:s17], $0x2000  }
0xc4: {  	[sflag:s17] =	ssyncset.done @!p0 $0x0  }
0xc5: {  	[sflag:s17] =	ssyncadd.s32 @!p0 $0xFFFFE000  }
0xc6: {  	_ =	swait.ge [sflag:s15], $0x80  }
0xc7: {  	[sflag:s15] =	ssyncset.done $0x0  }
0xc8: {  	[sflag:s15] =	ssyncadd.s32 $0xFFFFFF80  }
0xc9: {  	_ =	swait.ge [sflag:s15], $0x80  }
0xca: {  	[sflag:s15] =	ssyncset.done $0x0  }
0xcb: {  	[sflag:s15] =	ssyncadd.s32 $0xFFFFFF80  }
0xcc: {  	_ =	swait.ge [sflag:s15], $0x80  }
0xcd: {  	[sflag:s15] =	ssyncset.done $0x0  }
0xce: {  	[sflag:s15] =	ssyncadd.s32 $0xFFFFFF80  }
0xcf: {  	_ =	swait.ge [sflag:s15], $0x80  }
0xd0: {  	[sflag:s15] =	ssyncset.done $0x0  }
0xd1: {  	[sflag:s15] =	ssyncadd.s32 $0xFFFFFF80  }
0xd2: {  	s17 =	simm.s32 $0xA00;
	_ =	swait.ge [sflag:s15], $0x80  }
.LBB2_4:
0xd3: {  	[sflag:s15] =	ssyncset.done $0x0;
	s18 =	smov.u32 s17;
	s17 =	sadd.s32 $0xA00, s17  }
0xd4: {  	p0 =	sne.s32 s17, $0x14000;
	[sflag:s15] =	ssyncadd.s32 $0xFFFFFF80  }
0xd5: {  	s19 =	sshra.s32 s18, $0x2;
	_ =	swait.ge [sflag:s22], $0x2000  }
0xd6: {  	s20 =	sadd.s32 $0x5000, s19;
	[sflag:s22] =	ssyncset.done $0x0  }
0xd7: {  	[sflag:s22] =	ssyncadd.s32 $0xFFFFE000  }
0xd8: {  	[spmem:s3] =	stream.indirect.scatter.add.f32 [tilespmem:s23], [sflag:$0x6], $0x40, s20, s25, $0xb8;
	[tilespmem:$0x1E378] =	vst v63  }
0xd9: {  	_ = 	snop  }
0xda: {  	[spmem:s4] =	stream.indirect.scatter.add.f32 [tilespmem:s28], [sflag:$0xB], $0x1, s20, s25, $0xb8;
	[tilespmem:$0x1E378] =	vst v63  }
0xdb: {  	_ =	swait.ge [sflag:s30], $0x2000  }
0xdc: {  	s20 =	sadd.s32 $0x5080, s19;
	[sflag:s30] =	ssyncset.done $0x0  }
0xdd: {  	[sflag:s30] =	ssyncadd.s32 $0xFFFFE000  }
0xde: {  	[spmem:s3] =	stream.indirect.scatter.add.f32 [tilespmem:s26], [sflag:$0x7], $0x40, s20, s25, $0xb8;
	[tilespmem:$0x1E378] =	vst v63  }
0xdf: {  	_ = 	snop  }
0xe0: {  	[spmem:s4] =	stream.indirect.scatter.add.f32 [tilespmem:s28], [sflag:$0xB], $0x1, s20, s25, $0xb8;
	[tilespmem:$0x1E378] =	vst v63  }
0xe1: {  	_ =	swait.ge [sflag:s2], $0x2000  }
0xe2: {  	s20 =	sadd.s32 $0x5100, s19;
	[sflag:s2] =	ssyncset.done $0x0  }
0xe3: {  	[sflag:s2] =	ssyncadd.s32 $0xFFFFE000  }
0xe4: {  	[spmem:s3] =	stream.indirect.scatter.add.f32 [tilespmem:s29], [sflag:$0x8], $0x40, s20, s25, $0xb8;
	[tilespmem:$0x1E378] =	vst v63  }
0xe5: {  	_ = 	snop  }
0xe6: {  	[spmem:s4] =	stream.indirect.scatter.add.f32 [tilespmem:s28], [sflag:$0xB], $0x1, s20, s25, $0xb8;
	[tilespmem:$0x1E378] =	vst v63  }
0xe7: {  	_ =	swait.ge [sflag:s6], $0x2000  }
0xe8: {  	s20 =	sadd.s32 $0x5180, s19;
	[sflag:s6] =	ssyncset.done $0x0  }
0xe9: {  	[sflag:s6] =	ssyncadd.s32 $0xFFFFE000  }
0xea: {  	[spmem:s3] =	stream.indirect.scatter.add.f32 [tilespmem:s31], [sflag:$0x9], $0x40, s20, s25, $0xb8;
	[tilespmem:$0x1E378] =	vst v63  }
0xeb: {  	_ = 	snop  }
0xec: {  	[spmem:s4] =	stream.indirect.scatter.add.f32 [tilespmem:s28], [sflag:$0xB], $0x1, s20, s25, $0xb8;
	[tilespmem:$0x1E378] =	vst v63  }
0xed: {  	_ =	swait.ge [sflag:s7], $0x2000  }
0xee: {  	s19 =	sadd.s32 $0x5200, s19;
	[sflag:s7] =	ssyncset.done $0x0  }
0xef: {  	[sflag:s7] =	ssyncadd.s32 $0xFFFFE000  }
0xf0: {  	[spmem:s3] =	stream.indirect.scatter.add.f32 [tilespmem:s0], [sflag:$0xA], $0x40, s19, s25, $0xb8;
	[tilespmem:$0x1E378] =	vst v63  }
0xf1: {  	p1 =	sne.s32 s18, $0x13600  }
0xf2: {  	[spmem:s4] =	stream.indirect.scatter.add.f32 [tilespmem:s28], [sflag:$0xB], $0x1, s19, s25, $0xb8;
	[tilespmem:$0x1E378] =	vst v63  }
0xf3: {  	s18 =	sshra.s32 @p1 s18, $0x2;
	s19 =	simm.s32 @p1 $0x80;
	_ =	swait.ge [sflag:s14], $0x2000  }
0xf4: {  	s24 =	simm.s32 @p1 $0xA000;
	s20 =	sadd.s32 @p1 $0x280, s18;
	[sflag:s14] =	ssyncset.done $0x0  }
0xf5: {  	s8 =	simm.s32 @p1 $0x7;
	[sflag:s14] =	ssyncadd.s32 $0xFFFFE000  }
0xf6: {  	[tilespmem:s24], [sflag:$0x1] =	stream.indirect.gather @p1 [hbm4b:s1+s19], $0x40, s20, s19, $0xb8;
	[tilespmem:$0x1E378] =	vst v63  }
0xf7: {  	_ =	swait.ge @p1 [sflag:s8], $0x2000  }
0xf8: {  	s20 =	sadd.s32 @p1 $0x300, s18;
	s24 =	simm.s32 @p1 $0xC000;
	[sflag:s8] =	ssyncset.done @p1 $0x0  }
0xf9: {  	[sflag:s8] =	ssyncadd.s32 @p1 $0xFFFFE000;
	s8 =	simm.s32 @p1 $0x8  }
0xfa: {  	[tilespmem:s24], [sflag:$0x2] =	stream.indirect.gather @p1 [hbm4b:s1+s19], $0x40, s20, s19, $0xb8;
	[tilespmem:$0x1E378] =	vst v63  }
0xfb: {  	_ =	swait.ge @p1 [sflag:s8], $0x2000  }
0xfc: {  	s20 =	sadd.s32 @p1 $0x380, s18;
	s24 =	simm.s32 @p1 $0xE000;
	[sflag:s8] =	ssyncset.done @p1 $0x0  }
0xfd: {  	[sflag:s8] =	ssyncadd.s32 @p1 $0xFFFFE000;
	s8 =	simm.s32 @p1 $0x9  }
0xfe: {  	[tilespmem:s24], [sflag:$0x3] =	stream.indirect.gather @p1 [hbm4b:s1+s19], $0x40, s20, s19, $0xb8;
	[tilespmem:$0x1E378] =	vst v63  }
0xff: {  	_ =	swait.ge @p1 [sflag:s8], $0x2000  }
0x100: {  	s20 =	sadd.s32 @p1 $0x400, s18;
	s24 =	simm.s32 @p1 $0x10000;
	[sflag:s8] =	ssyncset.done @p1 $0x0  }
0x101: {  	[sflag:s8] =	ssyncadd.s32 @p1 $0xFFFFE000;
	s8 =	simm.s32 @p1 $0xA  }
0x102: {  	[tilespmem:s24], [sflag:$0x4] =	stream.indirect.gather @p1 [hbm4b:s1+s19], $0x40, s20, s19, $0xb8;
	[tilespmem:$0x1E378] =	vst v63  }
0x103: {  	_ =	swait.ge @p1 [sflag:s8], $0x2000  }
0x104: {  	s18 =	sadd.s32 @p1 $0x480, s18;
	s20 =	simm.s32 @p1 $0x12000;
	[sflag:s8] =	ssyncset.done @p1 $0x0  }
0x105: {  	[sflag:s8] =	ssyncadd.s32 @p1 $0xFFFFE000;
	s8 =	simm.s32 @!p1 $0x7  }
0x106: {  	[tilespmem:s20], [sflag:$0x5] =	stream.indirect.gather @p1 [hbm4b:s1+s19], $0x40, s18, s19, $0xb8;
	[tilespmem:$0x1E378] =	vst v63  }
0x107: {  	_ =	swait.ge @!p1 [sflag:s8], $0x2000  }
0x108: {  	s18 =	simm.s32 @!p1 $0x8;
	[sflag:s8] =	ssyncset.done @!p1 $0x0  }
0x109: {  	[sflag:s8] =	ssyncadd.s32 @!p1 $0xFFFFE000  }
0x10a: {  	_ =	swait.ge @!p1 [sflag:s18], $0x2000  }
0x10b: {  	s8 =	simm.s32 @!p1 $0x9;
	[sflag:s18] =	ssyncset.done @!p1 $0x0  }
0x10c: {  	[sflag:s18] =	ssyncadd.s32 @!p1 $0xFFFFE000  }
0x10d: {  	_ =	swait.ge @!p1 [sflag:s8], $0x2000  }
0x10e: {  	s18 =	simm.s32 @!p1 $0xA;
	[sflag:s8] =	ssyncset.done @!p1 $0x0  }
0x10f: {  	[sflag:s8] =	ssyncadd.s32 @!p1 $0xFFFFE000  }
0x110: {  	_ =	swait.ge @!p1 [sflag:s18], $0x2000  }
0x111: {  	[sflag:s18] =	ssyncset.done @!p1 $0x0  }
0x112: {  	[sflag:s18] =	ssyncadd.s32 @!p1 $0xFFFFE000  }
0x113: {  	_ =	swait.ge [sflag:s15], $0x80  }
0x114: {  	[sflag:s15] =	ssyncset.done $0x0  }
0x115: {  	[sflag:s15] =	ssyncadd.s32 $0xFFFFFF80  }
0x116: {  	_ =	swait.ge [sflag:s15], $0x80  }
0x117: {  	[sflag:s15] =	ssyncset.done $0x0  }
0x118: {  	[sflag:s15] =	ssyncadd.s32 $0xFFFFFF80  }
0x119: {  	_ =	swait.ge [sflag:s15], $0x80  }
0x11a: {  	[sflag:s15] =	ssyncset.done $0x0  }
.Ltmp1:
0x11b: {  	[sflag:s15] =	ssyncadd.s32 $0xFFFFFF80;
	(pc) =	sbr.rel @p0 .LBB2_4-.Ltmp1, $4  }
0x11c: {  	_ =	swait.ge [sflag:s15], $0x80  }
0x11d: {  	[sflag:s15] =	ssyncset.done $0x0  }
0x11e: {  	[sflag:s15] =	ssyncadd.s32 $0xFFFFFF80  }
0x11f: {  	_ =	swait.ge [sflag:s15], $0x80  }
0x120: {  	[sflag:s15] =	ssyncset.done $0x0  }
0x121: {  	[sflag:s15] =	ssyncadd.s32 $0xFFFFFF80  }
0x122: {  	[bflag:$0x0] =	sbarrier.arrive $0xFFFF  }
0x123: {  	[tilespmem:s23], [sflag:$0xC] =	stream.linear.gather [spmem:s9], $0x2000, $0x38;
	[tilespmem:$0x1E378] =	vst v63  }
0x124: {  	_ =	swait.ge [sflag:s21], $0x2000  }
0x125: {  	[sflag:s21] =	ssyncset.done $0x0  }
0x126: {  	s8 =	rddreg [dreg:$0x8];
	[sflag:s21] =	ssyncadd.s32 $0xFFFFE000  }
0x127: {  	[hbm4b:s8+s5] =	stream.linear.scatter [tilespmem:s23], [sflag:$0xC], $0x2000, $0x38;
	[tilespmem:$0x1E378] =	vst v63  }
0x128: {  	_ =	swait.ge [sflag:s21], $0x2000  }
0x129: {  	[sflag:s21] =	ssyncset.done $0x0  }
0x12a: {  	[sflag:s21] =	ssyncadd.s32 $0xFFFFE000  }
0x12b: {  	[tilespmem:s23], [sflag:$0xC] =	stream.linear.gather [spmem:s10], $0x2000, $0x38;
	[tilespmem:$0x1E378] =	vst v63  }
0x12c: {  	_ =	swait.ge [sflag:s21], $0x2000  }
0x12d: {  	[sflag:s21] =	ssyncset.done $0x0  }
0x12e: {  	s17 =	rddreg [dreg:$0x9];
	[sflag:s21] =	ssyncadd.s32 $0xFFFFE000  }
0x12f: {  	[hbm4b:s17+s5] =	stream.linear.scatter [tilespmem:s23], [sflag:$0xC], $0x2000, $0x38;
	[tilespmem:$0x1E378] =	vst v63  }
0x130: {  	_ =	swait.ge [sflag:s21], $0x2000  }
0x131: {  	[sflag:s21] =	ssyncset.done $0x0  }
0x132: {  	s18 =	rddreg [dreg:$0x7];
	[sflag:s21] =	ssyncadd.s32 $0xFFFFE000  }
0x133: {  	[tilespmem:s23], [sflag:$0xC] =	stream.linear.gather [spmem:s18], $0x2000, $0x38;
	[tilespmem:$0x1E378] =	vst v63  }
0x134: {  	_ =	swait.ge [sflag:s21], $0x2000  }
0x135: {  	[sflag:s21] =	ssyncset.done $0x0  }
0x136: {  	s19 =	rddreg [dreg:$0xa];
	[sflag:s21] =	ssyncadd.s32 $0xFFFFE000  }
0x137: {  	[hbm4b:s19+s5] =	stream.linear.scatter [tilespmem:s23], [sflag:$0xC], $0x2000, $0x38;
	[tilespmem:$0x1E378] =	vst v63  }
0x138: {  	_ =	swait.ge [sflag:s21], $0x2000  }
0x139: {  	[sflag:s21] =	ssyncset.done $0x0  }
0x13a: {  	s20 =	smov.u32 s9;
	s9 =	rddreg [dreg:$0xf];
	[sflag:s21] =	ssyncadd.s32 $0xFFFFE000  }
0x13b: {  	[tilespmem:s23], [sflag:$0xC] =	stream.linear.gather [spmem:s9], $0x2000, $0x38;
	[tilespmem:$0x1E378] =	vst v63  }
0x13c: {  	_ =	swait.ge [sflag:s21], $0x2000  }
0x13d: {  	[sflag:s21] =	ssyncset.done $0x0  }
0x13e: {  	s24 =	smov.u32 s10;
	s10 =	rddreg [dreg:$0xb];
	[sflag:s21] =	ssyncadd.s32 $0xFFFFE000  }
0x13f: {  	[hbm4b:s10+s5] =	stream.linear.scatter [tilespmem:s23], [sflag:$0xC], $0x2000, $0x38;
	[tilespmem:$0x1E378] =	vst v63  }
0x140: {  	_ =	swait.ge [sflag:s21], $0x2000  }
0x141: {  	[sflag:s21] =	ssyncset.done $0x0  }
0x142: {  	[sflag:s21] =	ssyncadd.s32 $0xFFFFE000  }
0x143: {  	[tilespmem:s23], [sflag:$0xC] =	stream.linear.gather [spmem:s12], $0x1E00, $0x38;
	[tilespmem:$0x1E378] =	vst v63  }
0x144: {  	_ =	swait.ge [sflag:s21], $0x1E00  }
0x145: {  	[sflag:s21] =	ssyncset.done $0x0  }
0x146: {  	s11 =	rddreg [dreg:$0xc];
	[sflag:s21] =	ssyncadd.s32 $0xFFFFE200  }
0x147: {  	[hbm4b:s11+s5] =	stream.linear.scatter [tilespmem:s23], [sflag:$0xC], $0x1E00, $0x38;
	[tilespmem:$0x1E378] =	vst v63  }
0x148: {  	_ =	swait.ge [sflag:s21], $0x1E00  }
0x149: {  	[sflag:s21] =	ssyncset.done $0x0  }
0x14a: {  	s17 =	simm.s32 $0x14000;
	[sflag:s21] =	ssyncadd.s32 $0xFFFFE200  }
0x14b: {  	[tilespmem:s17], [sflag:$0xC] =	stream.linear.gather [spmem:s13], $0x278, $0x38;
	[tilespmem:$0x1E378] =	vst v63  }
0x14c: {  	_ =	swait.ge [sflag:s21], $0x278  }
0x14d: {  	[sflag:s21] =	ssyncset.done $0x0  }
0x14e: {  	s18 =	rddreg [dreg:$0xd];
	[sflag:s21] =	ssyncadd.s32 $0xFFFFFD88  }
0x14f: {  	[hbm4b:s18+s5] =	stream.linear.scatter [tilespmem:s17], [sflag:$0xC], $0x278, $0x38;
	[tilespmem:$0x1E378] =	vst v63  }
0x150: {  	_ =	swait.ge [sflag:s21], $0x278  }
0x151: {  	s16 =	sadd.s32 $0x1, s16;
	s19 =	rddreg [dreg:$0xe]  }
0x152: {  	p0 =	sne.s32 s16, s19  }
.Ltmp2:
0x153: {  	_ = 	snop;
	(pc) =	sbr.rel @p0 .LBB2_1-.Ltmp2, $3  }
0x154: {  	_ =	sdelay $0x1  }
0x155: {  	[sflag:s21] =	ssyncset.done $0x0  }
0x156: {  	s11 =	simm.s32 $0x14000;
	[sflag:s21] =	ssyncadd.s32 $0xFFFFFD88  }
0x157: {  	_ =	sfence.sel $0x180000  }
0x158: {  	[bflag:$0x0] =	sbarrier.arrive $0xFFFF  }
0x159: {  	_ =	strace $0x90000047  }
0x15a: {  	s0 =	stileid.u32;
	[bflag:$0x2] =	sbarrier.arrive $0xFFFF  }
0x15b: {  	p0 =	sne.s32 s0, $0x0;
	s0 =	rddreg [dreg:$0x4]  }
0x15c: {  	s0 =	sadd.s32 @!p0 $0x100000, s0  }
0x15d: {  	[sflag:s0] =	ssyncadd.tile.s32 @!p0 $0x1;
	_ =	shalt  }
.Lfunc_end2:
_tile_overlayer_lowered:
.L_overlay_start_2:
0x15e: {  	(tag) =	ssettag $0x2  }
0x15f: {  	s0 =	rddreg [dreg:$0x0];
	s2 =	stileid.u32  }
0x160: {  	s1 =	rddreg [dreg:$0x1];
	p0 =	sne.s32 s2, $0x0  }
0x161: {  	s3 =	rddreg [dreg:$0x2];
	[bflag:$0x3] =	sbarrier.arrive $0xFFFF;
	s2 =	simm.s32 @!p0 $0x1C0C  }
0x162: {  	[timem:s3], [sflag:s2] =	dma.local @!p0 [hbm:s0], s1  }
0x163: {  	s0 =	simm.s32 @!p0 $0xC  }
0x164: {  	_ =	swait.ge @!p0 [sflag:s0], s1  }
0x165: {  	s1 =	ssub.s32 @!p0 $0x0, s1;
	[sflag:s0] =	ssyncset.done @!p0 $0x0  }
0x166: {  	[sflag:s0] =	ssyncadd.s32 @!p0 s1  }
0x167: {  	[bflag:$0x3] =	sbarrier.arrive $0xFFFF  }
0x168: {  	_ =	shalt  }

</sc_bundles>
